<compile_context>
chip_gen: v7x
topology: tpu7x:2x2x1
jax: 0.10.2.dev20260603
libtpu: 0.0.44.dev20260713+nightly
codegen_flags: <defaults>
</compile_context>

<pallas_src>
import functools

import jax
import jax.numpy as jnp
from jax import lax
from jax.experimental import pallas as pl
from jax.experimental.pallas import tpu as pltpu
from jax.experimental.pallas import tpu_sc as plsc

B = 128
V = 100000
CS = 1024
NCH = V // CS
TS = V - NCH * CS

W0 = 50048
W1 = 49920
WT = 32
CHK = 2176
NCHK = W0 // CHK

NEG_INF = float("-inf")


def _cumsum_lanes(p, width):
    k = 1
    while k < width:
        shifted = jnp.concatenate(
            [jnp.zeros((p.shape[0], k), p.dtype), p[:, : width - k]], axis=1
        )
        p = p + shifted
        k *= 2
    return p


def _process_chunk(x, base, width, carry, rand, idx, lp):
    p = jnp.exp(x)
    total = carry + _cumsum_lanes(p, width)
    prev_total = jnp.concatenate([carry, total[:, : width - 1]], axis=1)
    onehot = jnp.logical_and(total >= rand, prev_total < rand)
    col = base + jax.lax.broadcasted_iota(jnp.int32, (B, width), 1)
    has = jnp.any(onehot, axis=1, keepdims=True)
    idx_new = jnp.sum(jnp.where(onehot, col, 0), axis=1, keepdims=True)
    idx = jnp.where(has, idx_new, idx)
    lp = lp + jnp.sum(jnp.where(onehot, x, 0.0), axis=1, keepdims=True)
    return total[:, width - 1 :], idx, lp


def _search_kernel(x_hbm, rand_ref, idx_ref, lp_ref, chunk_ref, tail_ref, sem):
    rand = rand_ref[...]

    def cond(state):
        c, carry, _, _ = state
        return jnp.logical_and(c < NCH, jnp.logical_not(jnp.all(carry >= rand)))

    def body(state):
        c, carry, idx, lp = state
        copy = pltpu.make_async_copy(x_hbm.at[:, pl.ds(c * CS, CS)], chunk_ref, sem)
        copy.start()
        copy.wait()
        carry, idx, lp = _process_chunk(
            chunk_ref[...], c * CS, CS, carry, rand, idx, lp
        )
        return c + 1, carry, idx, lp

    init = (
        jnp.int32(0),
        jnp.zeros((B, 1), jnp.float32),
        jnp.full((B, 1), -1, jnp.int32),
        jnp.zeros((B, 1), jnp.float32),
    )
    _, carry, idx, lp = jax.lax.while_loop(cond, body, init)

    def tail(args):
        carry, idx, lp = args
        copy = pltpu.make_async_copy(x_hbm.at[:, pl.ds(NCH * CS, TS)], tail_ref, sem)
        copy.start()
        copy.wait()
        return _process_chunk(tail_ref[...], NCH * CS, TS, carry, rand, idx, lp)

    carry, idx, lp = jax.lax.cond(
        jnp.all(carry >= rand), lambda a: a, tail, (carry, idx, lp)
    )
    idx_ref[...] = idx
    lp_ref[...] = lp


_mesh = plsc.VectorSubcoreMesh(core_axis_name="c", subcore_axis_name="s")


@functools.partial(
    pl.kernel,
    mesh=_mesh,
    out_type=jax.ShapeDtypeStruct((B, V), jnp.float32),
    scratch_types=[
        pltpu.VMEM((8, CHK), jnp.float32),
        pltpu.VMEM((8, WT), jnp.float32),
        pltpu.VMEM_SHARED((8, W0), jnp.float32),
        pltpu.SemaphoreType.DMA,
    ],
)
def _sc_fill(out_hbm, fill_v, tail_v, shared_v, semA):
    c = lax.axis_index("c")
    s = lax.axis_index("s")
    w = c * 16 + s
    g = w // 2
    h = w - g * 2
    neg = jnp.full((16,), NEG_INF, jnp.float32)

    for r in range(8):
        def init_body(i, carry, r=r):
            fill_v[r, pl.ds(i * 16, 16)] = neg
            return carry

        lax.fori_loop(0, CHK // 16, init_body, 0)
        tail_v[r, pl.ds(0, 16)] = neg
        tail_v[r, pl.ds(16, 16)] = neg

    for rep in range(2):
        k = s + 16 * rep

        @pl.when(k < NCHK)
        def _stage(k=k):
            pltpu.sync_copy(fill_v, shared_v.at[:, pl.ds(k * CHK, CHK)])

    plsc.subcore_barrier()

    row0 = pl.multiple_of(g * 8, 8)

    @pl.when(h == 0)
    def _fill0():
        cp = pltpu.make_async_copy(
            shared_v, out_hbm.at[pl.ds(row0, 8), pl.ds(0, W0)], semA
        )
        cp.start()
        tp = pltpu.make_async_copy(
            tail_v, out_hbm.at[pl.ds(row0, 8), pl.ds(W0 + W1, WT)], semA
        )
        tp.start()
        cp.wait()
        tp.wait()

    @pl.when(h == 1)
    def _fill1():
        cp = pltpu.make_async_copy(
            shared_v.at[:, pl.ds(0, W1)],
            out_hbm.at[pl.ds(row0, 8), pl.ds(W0, W1)],
            semA,
        )
        cp.start()
        cp.wait()


def _patch_kernel(idx_sp, filled_ref, idxcol_ref, out_ref):
    g = pl.program_id(0)
    j = pl.program_id(1)
    t = jnp.maximum(idx_sp[g * 8 + j], 0) // 128
    idxb = idxcol_ref[...]
    col = t * 128 + jax.lax.broadcasted_iota(jnp.int32, (8, 128), 1)
    out_ref[...] = jnp.where(col == idxb, 0.0, NEG_INF)


def kernel(inputs, manualrand):
    idx, lp = pl.pallas_call(
        _search_kernel,
        in_specs=[
            pl.BlockSpec(memory_space=pl.ANY),
            pl.BlockSpec((B, 1), lambda: (0, 0)),
        ],
        out_specs=[
            pl.BlockSpec((B, 1), lambda: (0, 0)),
            pl.BlockSpec((B, 1), lambda: (0, 0)),
        ],
        out_shape=[
            jax.ShapeDtypeStruct((B, 1), jnp.int32),
            jax.ShapeDtypeStruct((B, 1), jnp.float32),
        ],
        scratch_shapes=[
            pltpu.VMEM((B, CS), jnp.float32),
            pltpu.VMEM((B, TS), jnp.float32),
            pltpu.SemaphoreType.DMA,
        ],
    )(inputs, manualrand)

    filled = _sc_fill()

    out = pl.pallas_call(
        _patch_kernel,
        grid_spec=pltpu.PrefetchScalarGridSpec(
            num_scalar_prefetch=1,
            grid=(16, 8),
            in_specs=[
                pl.BlockSpec(memory_space=pl.ANY),
                pl.BlockSpec(
                    (8, 1),
                    lambda g, j, sp: (g, 0),
                ),
            ],
            out_specs=pl.BlockSpec(
                (8, 128),
                lambda g, j, sp: (g, jnp.maximum(sp[g * 8 + j], 0) // 128),
            ),
        ),
        out_shape=jax.ShapeDtypeStruct((B, V), jnp.float32),
        input_output_aliases={1: 0},
        compiler_params=pltpu.CompilerParams(
            dimension_semantics=("arbitrary", "arbitrary")
        ),
    )(idx.reshape(B), filled, idx)
    return out, lp

# --- scband reference (transcript-rebuilt; emitter-appended) ---
"""Pipeline reference for scband-my-module-30588757082344 (READ-ONLY COPY).

The authoritative reference and input builder live on the scoring server;
editing this copy changes nothing except your own understanding.
"""

import jax, jax.numpy as jnp
import numpy as np


def setup_inputs(seed: int = 0) -> dict:
    key = jax.random.key(seed)
    k1, k2 = jax.random.split(key)
    inputs = jax.random.normal(k1, (128, 100000), dtype=jnp.float32)
    manualrand = jax.random.uniform(k2, (128, 1), dtype=jnp.float32)
    return {"inputs": inputs, "manualrand": manualrand}


def reference(inputs, manualrand):
    # forward(mode='likelihood') -> sample_concentrated(lp, axis=1, concentration=1.0)
    concentration = 1.0
    # transpose(0, axis=1): [B, V] -> [V, B]
    lp = jnp.transpose(inputs)
    p = jnp.exp(lp)
    cumprob = jnp.cumsum(p, axis=0)
    # manualrand provided: rand = manualrand.transpose(axis, 0) -> [1, B]
    rand = jnp.transpose(manualrand)
    samps_b = cumprob >= rand
    # samps[1:] = samps[1:] ^ samps[:-1]  (RHS computed from original tensor)
    samps_b = samps_b.at[1:].set(jnp.logical_xor(samps_b[1:], samps_b[:-1]))
    samps = jax.lax.stop_gradient(samps_b.astype(lp.dtype))  # .detach()
    logprob = samps * lp
    logprob = jnp.where(jnp.isnan(logprob), jnp.zeros_like(logprob), logprob)
    logprob = jnp.sum(logprob, axis=0, keepdims=True)
    samps_o = jnp.transpose(samps)        # back to [B, V]
    logprob_o = jnp.transpose(logprob) / concentration  # [B, 1]
    return (jnp.log(samps_o), logprob_o)

if __name__ == "__main__":
    import jax
    _d = setup_inputs()
    print(jax.jit(kernel)(*tuple(_d.values())))

</pallas_src>

<mosaic_0001>
#map = affine_map<(d0, d1) -> (0, 0)>
module attributes {stable_mosaic.version = 14 : i64} {
  func.func @_sc_fill(%arg0: i32, %arg1: i32, %arg2: memref<128x100000xf32, #tpu.memory_space<hbm>>, %arg3: memref<8x2176xf32, #tpu.memory_space<vmem>>, %arg4: memref<8x32xf32, #tpu.memory_space<vmem>>, %arg5: memref<8x50048xf32, #tpu.memory_space<vmem_shared>>, %arg6: memref<!tpu.dma_semaphore, #tpu.memory_space<semaphore_mem>>) attributes {dimension_semantics = [#tpu.dimension_semantics<core_parallel>, #tpu.dimension_semantics<subcore_parallel>], iteration_bounds = array<i64: 2, 16>, scalar_prefetch = 0 : i64, scratch_operands = 4 : i64, tpu.core_type = #tpu.core_type<sc_vector_subcore>, window_params = [{transform_indices = #map}]} {
    %mul3A = arith.constant 16 : i32
    %mul3A_0 = arith.muli %arg0, %mul3A : i32
    %add3A = arith.addi %mul3A_0, %arg1 : i32
    %jit3A = arith.constant 2 : i32
    %div3A = arith.divsi %add3A, %jit3A : i32
    %sign3A = arith.constant 0 : i32
    %sign3A_1 = arith.cmpi sgt, %add3A, %sign3A : i32
    %sign3A_2 = arith.extui %sign3A_1 : i1 to i32
    %sign3A_3 = arith.constant 0 : i32
    %sign3A_4 = arith.cmpi slt, %add3A, %sign3A_3 : i32
    %sign3A_5 = arith.extui %sign3A_4 : i1 to i32
    %sign3A_6 = arith.subi %sign3A_2, %sign3A_5 : i32
    %sign3A_7 = arith.constant 0 : i32
    %sign3A_8 = arith.cmpi sgt, %jit3A, %sign3A_7 : i32
    %sign3A_9 = arith.extui %sign3A_8 : i1 to i32
    %sign3A_10 = arith.constant 0 : i32
    %sign3A_11 = arith.cmpi slt, %jit3A, %sign3A_10 : i32
    %sign3A_12 = arith.extui %sign3A_11 : i1 to i32
    %sign3A_13 = arith.subi %sign3A_9, %sign3A_12 : i32
    %ne3A = arith.cmpi ne, %sign3A_6, %sign3A_13 : i32
    %rem3A = arith.remsi %add3A, %jit3A : i32
    %ne3A_14 = arith.constant 0 : i32
    %ne3A_15 = arith.cmpi ne, %rem3A, %ne3A_14 : i32
    %and3A = arith.andi %ne3A, %ne3A_15 : i1
    %sub3A = arith.constant 1 : i32
    %sub3A_16 = arith.subi %div3A, %sub3A : i32
    %select_n3A = arith.select %and3A, %sub3A_16, %div3A : i32
    %mul3A_17 = arith.constant 2 : i32
    %mul3A_18 = arith.muli %select_n3A, %mul3A_17 : i32
    %sub3A_19 = arith.subi %add3A, %mul3A_18 : i32
    %broadcast_in_dim3A = arith.constant 0xFF800000 : f32
    %broadcast_in_dim3A_20 = vector.broadcast %broadcast_in_dim3A : f32 to vector<16xf32>
    %scan3A = arith.constant 0 : i32
    %scan3A_21 = arith.constant 0 : i32
    %scan3A_22 = arith.constant 136 : i32
    %scan3A_23 = arith.addi %scan3A_21, %scan3A_22 : i32
    %scan3A_24 = arith.constant 1 : i32
    scf.for %scan3A_185 = %scan3A_21 to %scan3A_23 step %scan3A_24  : i32 {
      %mul3A_186 = arith.constant 16 : i32
      %mul3A_187 = arith.muli %scan3A_185, %mul3A_186 : i32
      %swap3A_188 = arith.constant 0 : i32
      %swap3A_189 = arith.index_cast %swap3A_188 : i32 to index
      %swap3A_190 = arith.index_cast %mul3A_187 : i32 to index
      %swap3A_191 = tpu.vector_load %arg3[%swap3A_189, %swap3A_190] {strides = array<i32>} : memref<8x2176xf32, #tpu.memory_space<vmem>>, vector<1x16xf32>,
      %swap3A_192 = vector.shape_cast %swap3A_191 : vector<1x16xf32> to vector<16xf32>
      %swap3A_193 = vector.shape_cast %broadcast_in_dim3A_20 : vector<16xf32> to vector<1x16xf32>
      tpu.vector_store %arg3[%swap3A_189, %swap3A_190], %swap3A_193 {strides = array<i32>} : memref<8x2176xf32, #tpu.memory_space<vmem>>, vector<1x16xf32>,
    }
    %scan3A_25 = arith.constant 136 : i32
    %swap3A = arith.constant 0 : i32
    %swap3A_26 = arith.index_cast %swap3A : i32 to index
    %swap3A_27 = arith.constant 0 : index
    %swap3A_28 = tpu.vector_load %arg4[%swap3A_26, %swap3A_27] {strides = array<i32>} : memref<8x32xf32, #tpu.memory_space<vmem>>, vector<1x16xf32>,
    %swap3A_29 = vector.shape_cast %swap3A_28 : vector<1x16xf32> to vector<16xf32>
    %swap3A_30 = vector.shape_cast %broadcast_in_dim3A_20 : vector<16xf32> to vector<1x16xf32>
    tpu.vector_store %arg4[%swap3A_26, %swap3A_27], %swap3A_30 {strides = array<i32>} : memref<8x32xf32, #tpu.memory_space<vmem>>, vector<1x16xf32>,
    %swap3A_31 = arith.constant 0 : i32
    %swap3A_32 = arith.index_cast %swap3A_31 : i32 to index
    %swap3A_33 = arith.constant 16 : index
    %swap3A_34 = tpu.vector_load %arg4[%swap3A_32, %swap3A_33] {strides = array<i32>} : memref<8x32xf32, #tpu.memory_space<vmem>>, vector<1x16xf32>,
    %swap3A_35 = vector.shape_cast %swap3A_34 : vector<1x16xf32> to vector<16xf32>
    %swap3A_36 = vector.shape_cast %broadcast_in_dim3A_20 : vector<16xf32> to vector<1x16xf32>
    tpu.vector_store %arg4[%swap3A_32, %swap3A_33], %swap3A_36 {strides = array<i32>} : memref<8x32xf32, #tpu.memory_space<vmem>>, vector<1x16xf32>,
    %scan3A_37 = arith.constant 0 : i32
    %scan3A_38 = arith.constant 0 : i32
    %scan3A_39 = arith.constant 136 : i32
    %scan3A_40 = arith.addi %scan3A_38, %scan3A_39 : i32
    %scan3A_41 = arith.constant 1 : i32
    scf.for %scan3A_185 = %scan3A_38 to %scan3A_40 step %scan3A_41  : i32 {
      %mul3A_186 = arith.constant 16 : i32
      %mul3A_187 = arith.muli %scan3A_185, %mul3A_186 : i32
      %swap3A_188 = arith.constant 1 : i32
      %swap3A_189 = arith.index_cast %swap3A_188 : i32 to index
      %swap3A_190 = arith.index_cast %mul3A_187 : i32 to index
      %swap3A_191 = tpu.vector_load %arg3[%swap3A_189, %swap3A_190] {strides = array<i32>} : memref<8x2176xf32, #tpu.memory_space<vmem>>, vector<1x16xf32>,
      %swap3A_192 = vector.shape_cast %swap3A_191 : vector<1x16xf32> to vector<16xf32>
      %swap3A_193 = vector.shape_cast %broadcast_in_dim3A_20 : vector<16xf32> to vector<1x16xf32>
      tpu.vector_store %arg3[%swap3A_189, %swap3A_190], %swap3A_193 {strides = array<i32>} : memref<8x2176xf32, #tpu.memory_space<vmem>>, vector<1x16xf32>,
    }
    %scan3A_42 = arith.constant 136 : i32
    %swap3A_43 = arith.constant 1 : i32
    %swap3A_44 = arith.index_cast %swap3A_43 : i32 to index
    %swap3A_45 = arith.constant 0 : index
    %swap3A_46 = tpu.vector_load %arg4[%swap3A_44, %swap3A_45] {strides = array<i32>} : memref<8x32xf32, #tpu.memory_space<vmem>>, vector<1x16xf32>,
    %swap3A_47 = vector.shape_cast %swap3A_46 : vector<1x16xf32> to vector<16xf32>
    %swap3A_48 = vector.shape_cast %broadcast_in_dim3A_20 : vector<16xf32> to vector<1x16xf32>
    tpu.vector_store %arg4[%swap3A_44, %swap3A_45], %swap3A_48 {strides = array<i32>} : memref<8x32xf32, #tpu.memory_space<vmem>>, vector<1x16xf32>,
    %swap3A_49 = arith.constant 1 : i32
    %swap3A_50 = arith.index_cast %swap3A_49 : i32 to index
    %swap3A_51 = arith.constant 16 : index
    %swap3A_52 = tpu.vector_load %arg4[%swap3A_50, %swap3A_51] {strides = array<i32>} : memref<8x32xf32, #tpu.memory_space<vmem>>, vector<1x16xf32>,
    %swap3A_53 = vector.shape_cast %swap3A_52 : vector<1x16xf32> to vector<16xf32>
    %swap3A_54 = vector.shape_cast %broadcast_in_dim3A_20 : vector<16xf32> to vector<1x16xf32>
    tpu.vector_store %arg4[%swap3A_50, %swap3A_51], %swap3A_54 {strides = array<i32>} : memref<8x32xf32, #tpu.memory_space<vmem>>, vector<1x16xf32>,
    %scan3A_55 = arith.constant 0 : i32
    %scan3A_56 = arith.constant 0 : i32
    %scan3A_57 = arith.constant 136 : i32
    %scan3A_58 = arith.addi %scan3A_56, %scan3A_57 : i32
    %scan3A_59 = arith.constant 1 : i32
    scf.for %scan3A_185 = %scan3A_56 to %scan3A_58 step %scan3A_59  : i32 {
      %mul3A_186 = arith.constant 16 : i32
      %mul3A_187 = arith.muli %scan3A_185, %mul3A_186 : i32
      %swap3A_188 = arith.constant 2 : i32
      %swap3A_189 = arith.index_cast %swap3A_188 : i32 to index
      %swap3A_190 = arith.index_cast %mul3A_187 : i32 to index
      %swap3A_191 = tpu.vector_load %arg3[%swap3A_189, %swap3A_190] {strides = array<i32>} : memref<8x2176xf32, #tpu.memory_space<vmem>>, vector<1x16xf32>,
      %swap3A_192 = vector.shape_cast %swap3A_191 : vector<1x16xf32> to vector<16xf32>
      %swap3A_193 = vector.shape_cast %broadcast_in_dim3A_20 : vector<16xf32> to vector<1x16xf32>
      tpu.vector_store %arg3[%swap3A_189, %swap3A_190], %swap3A_193 {strides = array<i32>} : memref<8x2176xf32, #tpu.memory_space<vmem>>, vector<1x16xf32>,
    }
    %scan3A_60 = arith.constant 136 : i32
    %swap3A_61 = arith.constant 2 : i32
    %swap3A_62 = arith.index_cast %swap3A_61 : i32 to index
    %swap3A_63 = arith.constant 0 : index
    %swap3A_64 = tpu.vector_load %arg4[%swap3A_62, %swap3A_63] {strides = array<i32>} : memref<8x32xf32, #tpu.memory_space<vmem>>, vector<1x16xf32>,
    %swap3A_65 = vector.shape_cast %swap3A_64 : vector<1x16xf32> to vector<16xf32>
    %swap3A_66 = vector.shape_cast %broadcast_in_dim3A_20 : vector<16xf32> to vector<1x16xf32>
    tpu.vector_store %arg4[%swap3A_62, %swap3A_63], %swap3A_66 {strides = array<i32>} : memref<8x32xf32, #tpu.memory_space<vmem>>, vector<1x16xf32>,
    %swap3A_67 = arith.constant 2 : i32
    %swap3A_68 = arith.index_cast %swap3A_67 : i32 to index
    %swap3A_69 = arith.constant 16 : index
    %swap3A_70 = tpu.vector_load %arg4[%swap3A_68, %swap3A_69] {strides = array<i32>} : memref<8x32xf32, #tpu.memory_space<vmem>>, vector<1x16xf32>,
    %swap3A_71 = vector.shape_cast %swap3A_70 : vector<1x16xf32> to vector<16xf32>
    %swap3A_72 = vector.shape_cast %broadcast_in_dim3A_20 : vector<16xf32> to vector<1x16xf32>
    tpu.vector_store %arg4[%swap3A_68, %swap3A_69], %swap3A_72 {strides = array<i32>} : memref<8x32xf32, #tpu.memory_space<vmem>>, vector<1x16xf32>,
    %scan3A_73 = arith.constant 0 : i32
    %scan3A_74 = arith.constant 0 : i32
    %scan3A_75 = arith.constant 136 : i32
    %scan3A_76 = arith.addi %scan3A_74, %scan3A_75 : i32
    %scan3A_77 = arith.constant 1 : i32
    scf.for %scan3A_185 = %scan3A_74 to %scan3A_76 step %scan3A_77  : i32 {
      %mul3A_186 = arith.constant 16 : i32
      %mul3A_187 = arith.muli %scan3A_185, %mul3A_186 : i32
      %swap3A_188 = arith.constant 3 : i32
      %swap3A_189 = arith.index_cast %swap3A_188 : i32 to index
      %swap3A_190 = arith.index_cast %mul3A_187 : i32 to index
      %swap3A_191 = tpu.vector_load %arg3[%swap3A_189, %swap3A_190] {strides = array<i32>} : memref<8x2176xf32, #tpu.memory_space<vmem>>, vector<1x16xf32>,
      %swap3A_192 = vector.shape_cast %swap3A_191 : vector<1x16xf32> to vector<16xf32>
      %swap3A_193 = vector.shape_cast %broadcast_in_dim3A_20 : vector<16xf32> to vector<1x16xf32>
      tpu.vector_store %arg3[%swap3A_189, %swap3A_190], %swap3A_193 {strides = array<i32>} : memref<8x2176xf32, #tpu.memory_space<vmem>>, vector<1x16xf32>,
    }
    %scan3A_78 = arith.constant 136 : i32
    %swap3A_79 = arith.constant 3 : i32
    %swap3A_80 = arith.index_cast %swap3A_79 : i32 to index
    %swap3A_81 = arith.constant 0 : index
    %swap3A_82 = tpu.vector_load %arg4[%swap3A_80, %swap3A_81] {strides = array<i32>} : memref<8x32xf32, #tpu.memory_space<vmem>>, vector<1x16xf32>,
    %swap3A_83 = vector.shape_cast %swap3A_82 : vector<1x16xf32> to vector<16xf32>
    %swap3A_84 = vector.shape_cast %broadcast_in_dim3A_20 : vector<16xf32> to vector<1x16xf32>
    tpu.vector_store %arg4[%swap3A_80, %swap3A_81], %swap3A_84 {strides = array<i32>} : memref<8x32xf32, #tpu.memory_space<vmem>>, vector<1x16xf32>,
    %swap3A_85 = arith.constant 3 : i32
    %swap3A_86 = arith.index_cast %swap3A_85 : i32 to index
    %swap3A_87 = arith.constant 16 : index
    %swap3A_88 = tpu.vector_load %arg4[%swap3A_86, %swap3A_87] {strides = array<i32>} : memref<8x32xf32, #tpu.memory_space<vmem>>, vector<1x16xf32>,
    %swap3A_89 = vector.shape_cast %swap3A_88 : vector<1x16xf32> to vector<16xf32>
    %swap3A_90 = vector.shape_cast %broadcast_in_dim3A_20 : vector<16xf32> to vector<1x16xf32>
    tpu.vector_store %arg4[%swap3A_86, %swap3A_87], %swap3A_90 {strides = array<i32>} : memref<8x32xf32, #tpu.memory_space<vmem>>, vector<1x16xf32>,
    %scan3A_91 = arith.constant 0 : i32
    %scan3A_92 = arith.constant 0 : i32
    %scan3A_93 = arith.constant 136 : i32
    %scan3A_94 = arith.addi %scan3A_92, %scan3A_93 : i32
    %scan3A_95 = arith.constant 1 : i32
    scf.for %scan3A_185 = %scan3A_92 to %scan3A_94 step %scan3A_95  : i32 {
      %mul3A_186 = arith.constant 16 : i32
      %mul3A_187 = arith.muli %scan3A_185, %mul3A_186 : i32
      %swap3A_188 = arith.constant 4 : i32
      %swap3A_189 = arith.index_cast %swap3A_188 : i32 to index
      %swap3A_190 = arith.index_cast %mul3A_187 : i32 to index
      %swap3A_191 = tpu.vector_load %arg3[%swap3A_189, %swap3A_190] {strides = array<i32>} : memref<8x2176xf32, #tpu.memory_space<vmem>>, vector<1x16xf32>,
      %swap3A_192 = vector.shape_cast %swap3A_191 : vector<1x16xf32> to vector<16xf32>
      %swap3A_193 = vector.shape_cast %broadcast_in_dim3A_20 : vector<16xf32> to vector<1x16xf32>
      tpu.vector_store %arg3[%swap3A_189, %swap3A_190], %swap3A_193 {strides = array<i32>} : memref<8x2176xf32, #tpu.memory_space<vmem>>, vector<1x16xf32>,
    }
    %scan3A_96 = arith.constant 136 : i32
    %swap3A_97 = arith.constant 4 : i32
    %swap3A_98 = arith.index_cast %swap3A_97 : i32 to index
    %swap3A_99 = arith.constant 0 : index
    %swap3A_100 = tpu.vector_load %arg4[%swap3A_98, %swap3A_99] {strides = array<i32>} : memref<8x32xf32, #tpu.memory_space<vmem>>, vector<1x16xf32>,
    %swap3A_101 = vector.shape_cast %swap3A_100 : vector<1x16xf32> to vector<16xf32>
    %swap3A_102 = vector.shape_cast %broadcast_in_dim3A_20 : vector<16xf32> to vector<1x16xf32>
    tpu.vector_store %arg4[%swap3A_98, %swap3A_99], %swap3A_102 {strides = array<i32>} : memref<8x32xf32, #tpu.memory_space<vmem>>, vector<1x16xf32>,
    %swap3A_103 = arith.constant 4 : i32
    %swap3A_104 = arith.index_cast %swap3A_103 : i32 to index
    %swap3A_105 = arith.constant 16 : index
    %swap3A_106 = tpu.vector_load %arg4[%swap3A_104, %swap3A_105] {strides = array<i32>} : memref<8x32xf32, #tpu.memory_space<vmem>>, vector<1x16xf32>,
    %swap3A_107 = vector.shape_cast %swap3A_106 : vector<1x16xf32> to vector<16xf32>
    %swap3A_108 = vector.shape_cast %broadcast_in_dim3A_20 : vector<16xf32> to vector<1x16xf32>
    tpu.vector_store %arg4[%swap3A_104, %swap3A_105], %swap3A_108 {strides = array<i32>} : memref<8x32xf32, #tpu.memory_space<vmem>>, vector<1x16xf32>,
    %scan3A_109 = arith.constant 0 : i32
    %scan3A_110 = arith.constant 0 : i32
    %scan3A_111 = arith.constant 136 : i32
    %scan3A_112 = arith.addi %scan3A_110, %scan3A_111 : i32
    %scan3A_113 = arith.constant 1 : i32
    scf.for %scan3A_185 = %scan3A_110 to %scan3A_112 step %scan3A_113  : i32 {
      %mul3A_186 = arith.constant 16 : i32
      %mul3A_187 = arith.muli %scan3A_185, %mul3A_186 : i32
      %swap3A_188 = arith.constant 5 : i32
      %swap3A_189 = arith.index_cast %swap3A_188 : i32 to index
      %swap3A_190 = arith.index_cast %mul3A_187 : i32 to index
      %swap3A_191 = tpu.vector_load %arg3[%swap3A_189, %swap3A_190] {strides = array<i32>} : memref<8x2176xf32, #tpu.memory_space<vmem>>, vector<1x16xf32>,
      %swap3A_192 = vector.shape_cast %swap3A_191 : vector<1x16xf32> to vector<16xf32>
      %swap3A_193 = vector.shape_cast %broadcast_in_dim3A_20 : vector<16xf32> to vector<1x16xf32>
      tpu.vector_store %arg3[%swap3A_189, %swap3A_190], %swap3A_193 {strides = array<i32>} : memref<8x2176xf32, #tpu.memory_space<vmem>>, vector<1x16xf32>,
    }
    %scan3A_114 = arith.constant 136 : i32
    %swap3A_115 = arith.constant 5 : i32
    %swap3A_116 = arith.index_cast %swap3A_115 : i32 to index
    %swap3A_117 = arith.constant 0 : index
    %swap3A_118 = tpu.vector_load %arg4[%swap3A_116, %swap3A_117] {strides = array<i32>} : memref<8x32xf32, #tpu.memory_space<vmem>>, vector<1x16xf32>,
    %swap3A_119 = vector.shape_cast %swap3A_118 : vector<1x16xf32> to vector<16xf32>
    %swap3A_120 = vector.shape_cast %broadcast_in_dim3A_20 : vector<16xf32> to vector<1x16xf32>
    tpu.vector_store %arg4[%swap3A_116, %swap3A_117], %swap3A_120 {strides = array<i32>} : memref<8x32xf32, #tpu.memory_space<vmem>>, vector<1x16xf32>,
    %swap3A_121 = arith.constant 5 : i32
    %swap3A_122 = arith.index_cast %swap3A_121 : i32 to index
    %swap3A_123 = arith.constant 16 : index
    %swap3A_124 = tpu.vector_load %arg4[%swap3A_122, %swap3A_123] {strides = array<i32>} : memref<8x32xf32, #tpu.memory_space<vmem>>, vector<1x16xf32>,
    %swap3A_125 = vector.shape_cast %swap3A_124 : vector<1x16xf32> to vector<16xf32>
    %swap3A_126 = vector.shape_cast %broadcast_in_dim3A_20 : vector<16xf32> to vector<1x16xf32>
    tpu.vector_store %arg4[%swap3A_122, %swap3A_123], %swap3A_126 {strides = array<i32>} : memref<8x32xf32, #tpu.memory_space<vmem>>, vector<1x16xf32>,
    %scan3A_127 = arith.constant 0 : i32
    %scan3A_128 = arith.constant 0 : i32
    %scan3A_129 = arith.constant 136 : i32
    %scan3A_130 = arith.addi %scan3A_128, %scan3A_129 : i32
    %scan3A_131 = arith.constant 1 : i32
    scf.for %scan3A_185 = %scan3A_128 to %scan3A_130 step %scan3A_131  : i32 {
      %mul3A_186 = arith.constant 16 : i32
      %mul3A_187 = arith.muli %scan3A_185, %mul3A_186 : i32
      %swap3A_188 = arith.constant 6 : i32
      %swap3A_189 = arith.index_cast %swap3A_188 : i32 to index
      %swap3A_190 = arith.index_cast %mul3A_187 : i32 to index
      %swap3A_191 = tpu.vector_load %arg3[%swap3A_189, %swap3A_190] {strides = array<i32>} : memref<8x2176xf32, #tpu.memory_space<vmem>>, vector<1x16xf32>,
      %swap3A_192 = vector.shape_cast %swap3A_191 : vector<1x16xf32> to vector<16xf32>
      %swap3A_193 = vector.shape_cast %broadcast_in_dim3A_20 : vector<16xf32> to vector<1x16xf32>
      tpu.vector_store %arg3[%swap3A_189, %swap3A_190], %swap3A_193 {strides = array<i32>} : memref<8x2176xf32, #tpu.memory_space<vmem>>, vector<1x16xf32>,
    }
    %scan3A_132 = arith.constant 136 : i32
    %swap3A_133 = arith.constant 6 : i32
    %swap3A_134 = arith.index_cast %swap3A_133 : i32 to index
    %swap3A_135 = arith.constant 0 : index
    %swap3A_136 = tpu.vector_load %arg4[%swap3A_134, %swap3A_135] {strides = array<i32>} : memref<8x32xf32, #tpu.memory_space<vmem>>, vector<1x16xf32>,
    %swap3A_137 = vector.shape_cast %swap3A_136 : vector<1x16xf32> to vector<16xf32>
    %swap3A_138 = vector.shape_cast %broadcast_in_dim3A_20 : vector<16xf32> to vector<1x16xf32>
    tpu.vector_store %arg4[%swap3A_134, %swap3A_135], %swap3A_138 {strides = array<i32>} : memref<8x32xf32, #tpu.memory_space<vmem>>, vector<1x16xf32>,
    %swap3A_139 = arith.constant 6 : i32
    %swap3A_140 = arith.index_cast %swap3A_139 : i32 to index
    %swap3A_141 = arith.constant 16 : index
    %swap3A_142 = tpu.vector_load %arg4[%swap3A_140, %swap3A_141] {strides = array<i32>} : memref<8x32xf32, #tpu.memory_space<vmem>>, vector<1x16xf32>,
    %swap3A_143 = vector.shape_cast %swap3A_142 : vector<1x16xf32> to vector<16xf32>
    %swap3A_144 = vector.shape_cast %broadcast_in_dim3A_20 : vector<16xf32> to vector<1x16xf32>
    tpu.vector_store %arg4[%swap3A_140, %swap3A_141], %swap3A_144 {strides = array<i32>} : memref<8x32xf32, #tpu.memory_space<vmem>>, vector<1x16xf32>,
    %scan3A_145 = arith.constant 0 : i32
    %scan3A_146 = arith.constant 0 : i32
    %scan3A_147 = arith.constant 136 : i32
    %scan3A_148 = arith.addi %scan3A_146, %scan3A_147 : i32
    %scan3A_149 = arith.constant 1 : i32
    scf.for %scan3A_185 = %scan3A_146 to %scan3A_148 step %scan3A_149  : i32 {
      %mul3A_186 = arith.constant 16 : i32
      %mul3A_187 = arith.muli %scan3A_185, %mul3A_186 : i32
      %swap3A_188 = arith.constant 7 : i32
      %swap3A_189 = arith.index_cast %swap3A_188 : i32 to index
      %swap3A_190 = arith.index_cast %mul3A_187 : i32 to index
      %swap3A_191 = tpu.vector_load %arg3[%swap3A_189, %swap3A_190] {strides = array<i32>} : memref<8x2176xf32, #tpu.memory_space<vmem>>, vector<1x16xf32>,
      %swap3A_192 = vector.shape_cast %swap3A_191 : vector<1x16xf32> to vector<16xf32>
      %swap3A_193 = vector.shape_cast %broadcast_in_dim3A_20 : vector<16xf32> to vector<1x16xf32>
      tpu.vector_store %arg3[%swap3A_189, %swap3A_190], %swap3A_193 {strides = array<i32>} : memref<8x2176xf32, #tpu.memory_space<vmem>>, vector<1x16xf32>,
    }
    %scan3A_150 = arith.constant 136 : i32
    %swap3A_151 = arith.constant 7 : i32
    %swap3A_152 = arith.index_cast %swap3A_151 : i32 to index
    %swap3A_153 = arith.constant 0 : index
    %swap3A_154 = tpu.vector_load %arg4[%swap3A_152, %swap3A_153] {strides = array<i32>} : memref<8x32xf32, #tpu.memory_space<vmem>>, vector<1x16xf32>,
    %swap3A_155 = vector.shape_cast %swap3A_154 : vector<1x16xf32> to vector<16xf32>
    %swap3A_156 = vector.shape_cast %broadcast_in_dim3A_20 : vector<16xf32> to vector<1x16xf32>
    tpu.vector_store %arg4[%swap3A_152, %swap3A_153], %swap3A_156 {strides = array<i32>} : memref<8x32xf32, #tpu.memory_space<vmem>>, vector<1x16xf32>,
    %swap3A_157 = arith.constant 7 : i32
    %swap3A_158 = arith.index_cast %swap3A_157 : i32 to index
    %swap3A_159 = arith.constant 16 : index
    %swap3A_160 = tpu.vector_load %arg4[%swap3A_158, %swap3A_159] {strides = array<i32>} : memref<8x32xf32, #tpu.memory_space<vmem>>, vector<1x16xf32>,
    %swap3A_161 = vector.shape_cast %swap3A_160 : vector<1x16xf32> to vector<16xf32>
    %swap3A_162 = vector.shape_cast %broadcast_in_dim3A_20 : vector<16xf32> to vector<1x16xf32>
    tpu.vector_store %arg4[%swap3A_158, %swap3A_159], %swap3A_162 {strides = array<i32>} : memref<8x32xf32, #tpu.memory_space<vmem>>, vector<1x16xf32>,
    %add3A_163 = arith.constant 0 : i32
    %add3A_164 = arith.addi %arg1, %add3A_163 : i32
    %lt3A = arith.constant 23 : i32
    %lt3A_165 = arith.cmpi slt, %add3A_164, %lt3A : i32
    %convert_element_type3A = arith.extui %lt3A_165 : i1 to i32
    %cond3A = arith.constant 0 : i32
    %cond3A_166 = arith.cmpi ne, %convert_element_type3A, %cond3A : i32
    scf.if %cond3A_166 {
      %mul3A_185 = arith.constant 2176 : i32
      %mul3A_186 = arith.muli %add3A_164, %mul3A_185 : i32
      "tpu.region"() ({
        %run_scoped3A = tpu.sem_alloc : memref<!tpu.dma_semaphore, #tpu.memory_space<semaphore_mem>>
        %dma_start3A = arith.constant 0 : i32
        %dma_start3A_187 = tpu.memref_slice %arg5[%dma_start3A, %mul3A_186] : memref<8x50048xf32, #tpu.memory_space<vmem_shared>> -> memref<8x2176xf32, #tpu.memory_space<vmem_shared>>
        %dma_start3A_188 = arith.constant 0 : i32
        %dma_start3A_189 = tpu.memref_slice %arg5[%dma_start3A_188, %mul3A_186] : memref<8x50048xf32, #tpu.memory_space<vmem_shared>> -> memref<8x2176xf32, #tpu.memory_space<vmem_shared>>
        tpu.enqueue_dma source(%arg3 : memref<8x2176xf32, #tpu.memory_space<vmem>>) target(%dma_start3A_189 : memref<8x2176xf32, #tpu.memory_space<vmem_shared>>) target_semaphore(%run_scoped3A : memref<!tpu.dma_semaphore, #tpu.memory_space<semaphore_mem>>)
        %dma_wait3A = arith.constant 0 : i32
        %dma_wait3A_190 = tpu.memref_slice %arg5[%dma_wait3A, %mul3A_186] : memref<8x50048xf32, #tpu.memory_space<vmem_shared>> -> memref<8x2176xf32, #tpu.memory_space<vmem_shared>>
        %dma_wait3A_191 = arith.constant 0 : i32
        %dma_wait3A_192 = tpu.memref_slice %arg5[%dma_wait3A_191, %mul3A_186] : memref<8x50048xf32, #tpu.memory_space<vmem_shared>> -> memref<8x2176xf32, #tpu.memory_space<vmem_shared>>
        tpu.wait_dma2 semaphore(%run_scoped3A : memref<!tpu.dma_semaphore, #tpu.memory_space<semaphore_mem>>) src(%arg3 : memref<8x2176xf32, #tpu.memory_space<vmem>>) dst(%dma_wait3A_192 : memref<8x2176xf32, #tpu.memory_space<vmem_shared>>)
        tpu.yield
      }) : () -> ()
    } else {
    }
    %add3A_167 = arith.constant 16 : i32
    %add3A_168 = arith.addi %arg1, %add3A_167 : i32
    %lt3A_169 = arith.constant 23 : i32
    %lt3A_170 = arith.cmpi slt, %add3A_168, %lt3A_169 : i32
    %convert_element_type3A_171 = arith.extui %lt3A_170 : i1 to i32
    %cond3A_172 = arith.constant 0 : i32
    %cond3A_173 = arith.cmpi ne, %convert_element_type3A_171, %cond3A_172 : i32
    scf.if %cond3A_173 {
      %mul3A_185 = arith.constant 2176 : i32
      %mul3A_186 = arith.muli %add3A_168, %mul3A_185 : i32
      "tpu.region"() ({
        %run_scoped3A = tpu.sem_alloc : memref<!tpu.dma_semaphore, #tpu.memory_space<semaphore_mem>>
        %dma_start3A = arith.constant 0 : i32
        %dma_start3A_187 = tpu.memref_slice %arg5[%dma_start3A, %mul3A_186] : memref<8x50048xf32, #tpu.memory_space<vmem_shared>> -> memref<8x2176xf32, #tpu.memory_space<vmem_shared>>
        %dma_start3A_188 = arith.constant 0 : i32
        %dma_start3A_189 = tpu.memref_slice %arg5[%dma_start3A_188, %mul3A_186] : memref<8x50048xf32, #tpu.memory_space<vmem_shared>> -> memref<8x2176xf32, #tpu.memory_space<vmem_shared>>
        tpu.enqueue_dma source(%arg3 : memref<8x2176xf32, #tpu.memory_space<vmem>>) target(%dma_start3A_189 : memref<8x2176xf32, #tpu.memory_space<vmem_shared>>) target_semaphore(%run_scoped3A : memref<!tpu.dma_semaphore, #tpu.memory_space<semaphore_mem>>)
        %dma_wait3A = arith.constant 0 : i32
        %dma_wait3A_190 = tpu.memref_slice %arg5[%dma_wait3A, %mul3A_186] : memref<8x50048xf32, #tpu.memory_space<vmem_shared>> -> memref<8x2176xf32, #tpu.memory_space<vmem_shared>>
        %dma_wait3A_191 = arith.constant 0 : i32
        %dma_wait3A_192 = tpu.memref_slice %arg5[%dma_wait3A_191, %mul3A_186] : memref<8x50048xf32, #tpu.memory_space<vmem_shared>> -> memref<8x2176xf32, #tpu.memory_space<vmem_shared>>
        tpu.wait_dma2 semaphore(%run_scoped3A : memref<!tpu.dma_semaphore, #tpu.memory_space<semaphore_mem>>) src(%arg3 : memref<8x2176xf32, #tpu.memory_space<vmem>>) dst(%dma_wait3A_192 : memref<8x2176xf32, #tpu.memory_space<vmem_shared>>)
        tpu.yield
      }) : () -> ()
    } else {
    }
    %barrier3A = arith.constant 0 : index
    tpu.barrier barrier_id(%barrier3A)
    %mul3A_174 = arith.constant 8 : i32
    %mul3A_175 = arith.muli %select_n3A, %mul3A_174 : i32
    %multiple_of3A = tpu.assume_multiple %mul3A_175, 8 : i32
    %eq3A = arith.constant 0 : i32
    %eq3A_176 = arith.cmpi eq, %sub3A_19, %eq3A : i32
    %convert_element_type3A_177 = arith.extui %eq3A_176 : i1 to i32
    %cond3A_178 = arith.constant 0 : i32
    %cond3A_179 = arith.cmpi ne, %convert_element_type3A_177, %cond3A_178 : i32
    scf.if %cond3A_179 {
      %dma_start3A = arith.constant 0 : i32
      %dma_start3A_185 = tpu.memref_slice %arg2[%multiple_of3A, %dma_start3A] : memref<128x100000xf32, #tpu.memory_space<hbm>> -> memref<8x50048xf32, #tpu.memory_space<hbm>>
      tpu.enqueue_dma source(%arg5 : memref<8x50048xf32, #tpu.memory_space<vmem_shared>>) target(%dma_start3A_185 : memref<8x50048xf32, #tpu.memory_space<hbm>>) target_semaphore(%arg6 : memref<!tpu.dma_semaphore, #tpu.memory_space<semaphore_mem>>)
      %dma_start3A_186 = arith.constant 99968 : i32
      %dma_start3A_187 = tpu.memref_slice %arg2[%multiple_of3A, %dma_start3A_186] : memref<128x100000xf32, #tpu.memory_space<hbm>> -> memref<8x32xf32, #tpu.memory_space<hbm>>
      %dma_start3A_188 = arith.constant 99968 : i32
      %dma_start3A_189 = tpu.memref_slice %arg2[%multiple_of3A, %dma_start3A_188] : memref<128x100000xf32, #tpu.memory_space<hbm>> -> memref<8x32xf32, #tpu.memory_space<hbm>>
      tpu.enqueue_dma source(%arg4 : memref<8x32xf32, #tpu.memory_space<vmem>>) target(%dma_start3A_189 : memref<8x32xf32, #tpu.memory_space<hbm>>) target_semaphore(%arg6 : memref<!tpu.dma_semaphore, #tpu.memory_space<semaphore_mem>>)
      %dma_wait3A = arith.constant 0 : i32
      %dma_wait3A_190 = tpu.memref_slice %arg2[%multiple_of3A, %dma_wait3A] : memref<128x100000xf32, #tpu.memory_space<hbm>> -> memref<8x50048xf32, #tpu.memory_space<hbm>>
      tpu.wait_dma2 semaphore(%arg6 : memref<!tpu.dma_semaphore, #tpu.memory_space<semaphore_mem>>) src(%arg5 : memref<8x50048xf32, #tpu.memory_space<vmem_shared>>) dst(%dma_wait3A_190 : memref<8x50048xf32, #tpu.memory_space<hbm>>)
      %dma_wait3A_191 = arith.constant 99968 : i32
      %dma_wait3A_192 = tpu.memref_slice %arg2[%multiple_of3A, %dma_wait3A_191] : memref<128x100000xf32, #tpu.memory_space<hbm>> -> memref<8x32xf32, #tpu.memory_space<hbm>>
      %dma_wait3A_193 = arith.constant 99968 : i32
      %dma_wait3A_194 = tpu.memref_slice %arg2[%multiple_of3A, %dma_wait3A_193] : memref<128x100000xf32, #tpu.memory_space<hbm>> -> memref<8x32xf32, #tpu.memory_space<hbm>>
      tpu.wait_dma2 semaphore(%arg6 : memref<!tpu.dma_semaphore, #tpu.memory_space<semaphore_mem>>) src(%arg4 : memref<8x32xf32, #tpu.memory_space<vmem>>) dst(%dma_wait3A_194 : memref<8x32xf32, #tpu.memory_space<hbm>>)
    } else {
    }
    %eq3A_180 = arith.constant 1 : i32
    %eq3A_181 = arith.cmpi eq, %sub3A_19, %eq3A_180 : i32
    %convert_element_type3A_182 = arith.extui %eq3A_181 : i1 to i32
    %cond3A_183 = arith.constant 0 : i32
    %cond3A_184 = arith.cmpi ne, %convert_element_type3A_182, %cond3A_183 : i32
    scf.if %cond3A_184 {
      %dma_start3A = arith.constant 50048 : i32
      %dma_start3A_185 = tpu.memref_slice %arg2[%multiple_of3A, %dma_start3A] : memref<128x100000xf32, #tpu.memory_space<hbm>> -> memref<8x49920xf32, #tpu.memory_space<hbm>>
      %dma_start3A_186 = arith.constant 0 : i32
      %dma_start3A_187 = arith.constant 0 : i32
      %dma_start3A_188 = tpu.memref_slice %arg5[%dma_start3A_186, %dma_start3A_187] : memref<8x50048xf32, #tpu.memory_space<vmem_shared>> -> memref<8x49920xf32, #tpu.memory_space<vmem_shared>>
      tpu.enqueue_dma source(%dma_start3A_188 : memref<8x49920xf32, #tpu.memory_space<vmem_shared>>) target(%dma_start3A_185 : memref<8x49920xf32, #tpu.memory_space<hbm>>) target_semaphore(%arg6 : memref<!tpu.dma_semaphore, #tpu.memory_space<semaphore_mem>>)
      %dma_wait3A = arith.constant 50048 : i32
      %dma_wait3A_189 = tpu.memref_slice %arg2[%multiple_of3A, %dma_wait3A] : memref<128x100000xf32, #tpu.memory_space<hbm>> -> memref<8x49920xf32, #tpu.memory_space<hbm>>
      %dma_wait3A_190 = arith.constant 0 : i32
      %dma_wait3A_191 = arith.constant 0 : i32
      %dma_wait3A_192 = tpu.memref_slice %arg5[%dma_wait3A_190, %dma_wait3A_191] : memref<8x50048xf32, #tpu.memory_space<vmem_shared>> -> memref<8x49920xf32, #tpu.memory_space<vmem_shared>>
      tpu.wait_dma2 semaphore(%arg6 : memref<!tpu.dma_semaphore, #tpu.memory_space<semaphore_mem>>) src(%dma_wait3A_192 : memref<8x49920xf32, #tpu.memory_space<vmem_shared>>) dst(%dma_wait3A_189 : memref<8x49920xf32, #tpu.memory_space<hbm>>)
    } else {
    }
    return
  }
}

module attributes {stable_mosaic.version = 14 : i64} {
  func.func @_patch_kernel(%arg0: i32, %arg1: i32, %arg2: memref<128xi32, #tpu.memory_space<smem>>, %arg3: memref<128x100000xf32, #tpu.memory_space<any>>, %arg4: memref<8x1xi32, #tpu.memory_space<vmem>>, %arg5: memref<8x128xf32, #tpu.memory_space<vmem>>) attributes {dimension_semantics = [#tpu.dimension_semantics<arbitrary>, #tpu.dimension_semantics<arbitrary>], iteration_bounds = array<i64: 16, 8>, scalar_prefetch = 1 : i64, scratch_operands = 0 : i64, tpu.core_type = #tpu.core_type<tc>, window_params = [{}, {transform_indices = @transform_1, window_bounds = array<i64: 8, 1>}, {transform_indices = @transform_2, window_bounds = array<i64: 8, 128>}]} {
    %mul3A = arith.constant 8 : i32
    %mul3A_0 = arith.muli %arg0, %mul3A : i32
    %add3A = arith.addi %mul3A_0, %arg1 : i32
    %get3A = arith.index_cast %add3A : i32 to index
    %get3A_1 = memref.load %arg2[%get3A] : memref<128xi32, #tpu.memory_space<smem>>
    %max3A = arith.constant 0 : i32
    %max3A_2 = arith.maxsi %get3A_1, %max3A : i32
    %jit3A = arith.constant 128 : i32
    %div3A = arith.divsi %max3A_2, %jit3A : i32
    %sign3A = arith.constant 0 : i32
    %sign3A_3 = arith.cmpi sgt, %max3A_2, %sign3A : i32
    %sign3A_4 = arith.extui %sign3A_3 : i1 to i32
    %sign3A_5 = arith.constant 0 : i32
    %sign3A_6 = arith.cmpi slt, %max3A_2, %sign3A_5 : i32
    %sign3A_7 = arith.extui %sign3A_6 : i1 to i32
    %sign3A_8 = arith.subi %sign3A_4, %sign3A_7 : i32
    %sign3A_9 = arith.constant 0 : i32
    %sign3A_10 = arith.cmpi sgt, %jit3A, %sign3A_9 : i32
    %sign3A_11 = arith.extui %sign3A_10 : i1 to i32
    %sign3A_12 = arith.constant 0 : i32
    %sign3A_13 = arith.cmpi slt, %jit3A, %sign3A_12 : i32
    %sign3A_14 = arith.extui %sign3A_13 : i1 to i32
    %sign3A_15 = arith.subi %sign3A_11, %sign3A_14 : i32
    %ne3A = arith.cmpi ne, %sign3A_8, %sign3A_15 : i32
    %rem3A = arith.remsi %max3A_2, %jit3A : i32
    %ne3A_16 = arith.constant 0 : i32
    %ne3A_17 = arith.cmpi ne, %rem3A, %ne3A_16 : i32
    %and3A = arith.andi %ne3A, %ne3A_17 : i1
    %sub3A = arith.constant 1 : i32
    %sub3A_18 = arith.subi %div3A, %sub3A : i32
    %select_n3A = arith.select %and3A, %sub3A_18, %div3A : i32
    %get3A_19 = arith.constant 0 : index
    %get3A_20 = arith.constant 0 : index
    %get3A_21 = vector.load %arg4[%get3A_19, %get3A_20] : memref<8x1xi32, #tpu.memory_space<vmem>>, vector<8x1xi32>
    %mul3A_22 = arith.constant 128 : i32
    %mul3A_23 = arith.muli %select_n3A, %mul3A_22 : i32
    %iota3A = tpu.iota {dimensions = array<i32: 1>} : vector<8x128xi32>
    %add3A_24 = vector.broadcast %mul3A_23 : i32 to vector<8x128xi32>
    %add3A_25 = arith.addi %add3A_24, %iota3A : vector<8x128xi32>
    %eq3A = vector.broadcast %get3A_21 : vector<8x1xi32> to vector<8x128xi32>
    %eq3A_26 = arith.cmpi eq, %add3A_25, %eq3A : vector<8x128xi32>
    %jit3A_27 = arith.constant 0.000000e+00 : f32
    %jit3A_28 = arith.constant 0xFF800000 : f32
    %broadcast_in_dim3A = vector.broadcast %jit3A_27 : f32 to vector<8x128xf32>
    %broadcast_in_dim3A_29 = vector.broadcast %jit3A_28 : f32 to vector<8x128xf32>
    %select_n3A_30 = arith.select %eq3A_26, %broadcast_in_dim3A, %broadcast_in_dim3A_29 : vector<8x128xi1>, vector<8x128xf32>
    %swap3A = arith.constant 0 : index
    %swap3A_31 = arith.constant 0 : index
    %swap3A_32 = vector.load %arg5[%swap3A, %swap3A_31] : memref<8x128xf32, #tpu.memory_space<vmem>>, vector<8x128xf32>
    tpu.vector_store %arg5[%swap3A, %swap3A_31], %select_n3A_30 {strides = array<i32>} : memref<8x128xf32, #tpu.memory_space<vmem>>, vector<8x128xf32>,
    return
  }
  func.func @transform_1(%arg0: i32, %arg1: i32, %arg2: memref<128xi32, #tpu.memory_space<smem>>) -> (i32, i32) {
    %c0_i32 = arith.constant 0 : i32
    %c0_i32_0 = arith.constant 0 : i32
    return %arg0, %c0_i32 : i32, i32
  }
  func.func @transform_2(%arg0: i32, %arg1: i32, %arg2: memref<128xi32, #tpu.memory_space<smem>>) -> (i32, i32) {
    %mul3A = arith.constant 8 : i32
    %mul3A_0 = arith.muli %arg0, %mul3A : i32
    %add3A = arith.addi %mul3A_0, %arg1 : i32
    %get3A = arith.index_cast %add3A : i32 to index
    %get3A_1 = memref.load %arg2[%get3A] : memref<128xi32, #tpu.memory_space<smem>>
    %max3A = arith.constant 0 : i32
    %max3A_2 = arith.maxsi %get3A_1, %max3A : i32
    %jit3A = arith.constant 128 : i32
    %div3A = arith.divsi %max3A_2, %jit3A : i32
    %sign3A = arith.constant 0 : i32
    %sign3A_3 = arith.cmpi sgt, %max3A_2, %sign3A : i32
    %sign3A_4 = arith.extui %sign3A_3 : i1 to i32
    %sign3A_5 = arith.constant 0 : i32
    %sign3A_6 = arith.cmpi slt, %max3A_2, %sign3A_5 : i32
    %sign3A_7 = arith.extui %sign3A_6 : i1 to i32
    %sign3A_8 = arith.subi %sign3A_4, %sign3A_7 : i32
    %sign3A_9 = arith.constant 0 : i32
    %sign3A_10 = arith.cmpi sgt, %jit3A, %sign3A_9 : i32
    %sign3A_11 = arith.extui %sign3A_10 : i1 to i32
    %sign3A_12 = arith.constant 0 : i32
    %sign3A_13 = arith.cmpi slt, %jit3A, %sign3A_12 : i32
    %sign3A_14 = arith.extui %sign3A_13 : i1 to i32
    %sign3A_15 = arith.subi %sign3A_11, %sign3A_14 : i32
    %ne3A = arith.cmpi ne, %sign3A_8, %sign3A_15 : i32
    %rem3A = arith.remsi %max3A_2, %jit3A : i32
    %ne3A_16 = arith.constant 0 : i32
    %ne3A_17 = arith.cmpi ne, %rem3A, %ne3A_16 : i32
    %and3A = arith.andi %ne3A, %ne3A_17 : i1
    %sub3A = arith.constant 1 : i32
    %sub3A_18 = arith.subi %div3A, %sub3A : i32
    %select_n3A = arith.select %and3A, %sub3A_18, %div3A : i32
    %c0_i32 = arith.constant 0 : i32
    return %arg0, %select_n3A : i32, i32
  }
}

module attributes {stable_mosaic.version = 14 : i64} {
  func.func @_search_kernel(%arg0: memref<128x100000xf32, #tpu.memory_space<any>>, %arg1: memref<128x1xf32, #tpu.memory_space<vmem>>, %arg2: memref<128x1xi32, #tpu.memory_space<vmem>>, %arg3: memref<128x1xf32, #tpu.memory_space<vmem>>, %arg4: memref<128x1024xf32, #tpu.memory_space<vmem>>, %arg5: memref<128x672xf32, #tpu.memory_space<vmem>>, %arg6: memref<!tpu.dma_semaphore, #tpu.memory_space<semaphore_mem>>) attributes {dimension_semantics = [], scalar_prefetch = 0 : i64, scratch_operands = 3 : i64, tpu.core_type = #tpu.core_type<tc>} {
    %get3A = arith.constant 0 : index
    %get3A_0 = arith.constant 0 : index
    %get3A_1 = vector.load %arg1[%get3A, %get3A_0] : memref<128x1xf32, #tpu.memory_space<vmem>>, vector<128x1xf32>
    %broadcast_in_dim3A = arith.constant 0.000000e+00 : f32
    %broadcast_in_dim3A_2 = vector.broadcast %broadcast_in_dim3A : f32 to vector<128x1xf32>
    %broadcast_in_dim3A_3 = arith.constant -1 : i32
    %broadcast_in_dim3A_4 = vector.broadcast %broadcast_in_dim3A_3 : i32 to vector<128x1xi32>
    %broadcast_in_dim3A_5 = arith.constant 0.000000e+00 : f32
    %broadcast_in_dim3A_6 = vector.broadcast %broadcast_in_dim3A_5 : f32 to vector<128x1xf32>
    %while3A = arith.constant 0 : i32
    %while3A_7:4 = scf.while (%while3A_26 = %while3A, %while3A_27 = %broadcast_in_dim3A_2, %while3A_28 = %broadcast_in_dim3A_4, %while3A_29 = %broadcast_in_dim3A_6) : (i32, vector<128x1xf32>, vector<128x1xi32>, vector<128x1xf32>) -> (i32, vector<128x1xf32>, vector<128x1xi32>, vector<128x1xf32>) {
      %lt3A = arith.constant 97 : i32
      %lt3A_30 = arith.cmpi slt, %while3A_26, %lt3A : i32
      %ge3A_31 = arith.cmpf oge, %while3A_27, %get3A_1 : vector<128x1xf32>
      %reduce_and3A_32 = arith.constant 1.000000e+00 : f32
      %reduce_and3A_33 = arith.constant 0.000000e+00 : f32
      %reduce_and3A_34 = vector.broadcast %reduce_and3A_32 : f32 to vector<128x1xf32>
      %reduce_and3A_35 = vector.broadcast %reduce_and3A_33 : f32 to vector<128x1xf32>
      %reduce_and3A_36 = arith.select %ge3A_31, %reduce_and3A_34, %reduce_and3A_35 : vector<128x1xi1>, vector<128x1xf32>
      %reduce_and3A_37 = vector.shape_cast %reduce_and3A_36 : vector<128x1xf32> to vector<1x128x1xf32>
      %reduce_and3A_38 = arith.constant dense<0x7F800000> : vector<1xf32>
      %reduce_and3A_39 = vector.multi_reduction <minimumf>, %reduce_and3A_37, %reduce_and3A_38 [1, 2] : vector<1x128x1xf32> to vector<1xf32>
      %reduce_and3A_40 = vector.shape_cast %reduce_and3A_39 : vector<1xf32> to vector<1x1x1xf32>
      %reduce_and3A_41 = vector.extract %reduce_and3A_40[0, 0, 0] : f32 from vector<1x1x1xf32>
      %reduce_and3A_42 = arith.constant 0.000000e+00 : f32
      %reduce_and3A_43 = arith.cmpf ogt, %reduce_and3A_41, %reduce_and3A_42 : f32
      %not3A = arith.constant true
      %not3A_44 = arith.xori %reduce_and3A_43, %not3A : i1
      %and3A = arith.andi %lt3A_30, %not3A_44 : i1
      scf.condition(%and3A) %while3A_26, %while3A_27, %while3A_28, %while3A_29 : i32, vector<128x1xf32>, vector<128x1xi32>, vector<128x1xf32>
    } do {
    ^bb0(%while3A_26: i32, %while3A_27: vector<128x1xf32>, %while3A_28: vector<128x1xi32>, %while3A_29: vector<128x1xf32>):
      %mul3A = arith.constant 1024 : i32
      %mul3A_30 = arith.muli %while3A_26, %mul3A : i32
      %dma_start3A = arith.constant 0 : i32
      %dma_start3A_31 = tpu.memref_slice %arg0[%dma_start3A, %mul3A_30] : memref<128x100000xf32, #tpu.memory_space<any>> -> memref<128x1024xf32, #tpu.memory_space<any>>
      tpu.enqueue_dma source(%dma_start3A_31 : memref<128x1024xf32, #tpu.memory_space<any>>) target(%arg4 : memref<128x1024xf32, #tpu.memory_space<vmem>>) target_semaphore(%arg6 : memref<!tpu.dma_semaphore, #tpu.memory_space<semaphore_mem>>)
      %dma_wait3A = arith.constant 0 : i32
      %dma_wait3A_32 = tpu.memref_slice %arg0[%dma_wait3A, %mul3A_30] : memref<128x100000xf32, #tpu.memory_space<any>> -> memref<128x1024xf32, #tpu.memory_space<any>>
      tpu.wait_dma2 semaphore(%arg6 : memref<!tpu.dma_semaphore, #tpu.memory_space<semaphore_mem>>) src(%dma_wait3A_32 : memref<128x1024xf32, #tpu.memory_space<any>>) dst(%arg4 : memref<128x1024xf32, #tpu.memory_space<vmem>>)
      %get3A_33 = arith.constant 0 : index
      %get3A_34 = arith.constant 0 : index
      %get3A_35 = vector.load %arg4[%get3A_33, %get3A_34] : memref<128x1024xf32, #tpu.memory_space<vmem>>, vector<128x1024xf32>
      %mul3A_36 = arith.constant 1024 : i32
      %mul3A_37 = arith.muli %while3A_26, %mul3A_36 : i32
      %exp3A = math.exp %get3A_35 : vector<128x1024xf32>
      %broadcast_in_dim3A_38 = arith.constant 0.000000e+00 : f32
      %broadcast_in_dim3A_39 = vector.broadcast %broadcast_in_dim3A_38 : f32 to vector<128x1xf32>
      %slice3A = vector.extract_strided_slice %exp3A {offsets = [0, 0], sizes = [128, 1023], strides = [1, 1]} : vector<128x1024xf32> to vector<128x1023xf32>
      %concatenate3A = tpu.concatenate %broadcast_in_dim3A_39, %slice3A in 1 : vector<128x1xf32>, vector<128x1023xf32> -> vector<128x1024xf32>
      %add3A = arith.addf %exp3A, %concatenate3A : vector<128x1024xf32>
      %broadcast_in_dim3A_40 = arith.constant 0.000000e+00 : f32
      %broadcast_in_dim3A_41 = vector.broadcast %broadcast_in_dim3A_40 : f32 to vector<128x2xf32>
      %slice3A_42 = vector.extract_strided_slice %add3A {offsets = [0, 0], sizes = [128, 1022], strides = [1, 1]} : vector<128x1024xf32> to vector<128x1022xf32>
      %concatenate3A_43 = tpu.concatenate %broadcast_in_dim3A_41, %slice3A_42 in 1 : vector<128x2xf32>, vector<128x1022xf32> -> vector<128x1024xf32>
      %add3A_44 = arith.addf %add3A, %concatenate3A_43 : vector<128x1024xf32>
      %broadcast_in_dim3A_45 = arith.constant 0.000000e+00 : f32
      %broadcast_in_dim3A_46 = vector.broadcast %broadcast_in_dim3A_45 : f32 to vector<128x4xf32>
      %slice3A_47 = vector.extract_strided_slice %add3A_44 {offsets = [0, 0], sizes = [128, 1020], strides = [1, 1]} : vector<128x1024xf32> to vector<128x1020xf32>
      %concatenate3A_48 = tpu.concatenate %broadcast_in_dim3A_46, %slice3A_47 in 1 : vector<128x4xf32>, vector<128x1020xf32> -> vector<128x1024xf32>
      %add3A_49 = arith.addf %add3A_44, %concatenate3A_48 : vector<128x1024xf32>
      %broadcast_in_dim3A_50 = arith.constant 0.000000e+00 : f32
      %broadcast_in_dim3A_51 = vector.broadcast %broadcast_in_dim3A_50 : f32 to vector<128x8xf32>
      %slice3A_52 = vector.extract_strided_slice %add3A_49 {offsets = [0, 0], sizes = [128, 1016], strides = [1, 1]} : vector<128x1024xf32> to vector<128x1016xf32>
      %concatenate3A_53 = tpu.concatenate %broadcast_in_dim3A_51, %slice3A_52 in 1 : vector<128x8xf32>, vector<128x1016xf32> -> vector<128x1024xf32>
      %add3A_54 = arith.addf %add3A_49, %concatenate3A_53 : vector<128x1024xf32>
      %broadcast_in_dim3A_55 = arith.constant 0.000000e+00 : f32
      %broadcast_in_dim3A_56 = vector.broadcast %broadcast_in_dim3A_55 : f32 to vector<128x16xf32>
      %slice3A_57 = vector.extract_strided_slice %add3A_54 {offsets = [0, 0], sizes = [128, 1008], strides = [1, 1]} : vector<128x1024xf32> to vector<128x1008xf32>
      %concatenate3A_58 = tpu.concatenate %broadcast_in_dim3A_56, %slice3A_57 in 1 : vector<128x16xf32>, vector<128x1008xf32> -> vector<128x1024xf32>
      %add3A_59 = arith.addf %add3A_54, %concatenate3A_58 : vector<128x1024xf32>
      %broadcast_in_dim3A_60 = arith.constant 0.000000e+00 : f32
      %broadcast_in_dim3A_61 = vector.broadcast %broadcast_in_dim3A_60 : f32 to vector<128x32xf32>
      %slice3A_62 = vector.extract_strided_slice %add3A_59 {offsets = [0, 0], sizes = [128, 992], strides = [1, 1]} : vector<128x1024xf32> to vector<128x992xf32>
      %concatenate3A_63 = tpu.concatenate %broadcast_in_dim3A_61, %slice3A_62 in 1 : vector<128x32xf32>, vector<128x992xf32> -> vector<128x1024xf32>
      %add3A_64 = arith.addf %add3A_59, %concatenate3A_63 : vector<128x1024xf32>
      %broadcast_in_dim3A_65 = arith.constant 0.000000e+00 : f32
      %broadcast_in_dim3A_66 = vector.broadcast %broadcast_in_dim3A_65 : f32 to vector<128x64xf32>
      %slice3A_67 = vector.extract_strided_slice %add3A_64 {offsets = [0, 0], sizes = [128, 960], strides = [1, 1]} : vector<128x1024xf32> to vector<128x960xf32>
      %concatenate3A_68 = tpu.concatenate %broadcast_in_dim3A_66, %slice3A_67 in 1 : vector<128x64xf32>, vector<128x960xf32> -> vector<128x1024xf32>
      %add3A_69 = arith.addf %add3A_64, %concatenate3A_68 : vector<128x1024xf32>
      %broadcast_in_dim3A_70 = arith.constant 0.000000e+00 : f32
      %broadcast_in_dim3A_71 = vector.broadcast %broadcast_in_dim3A_70 : f32 to vector<128x128xf32>
      %slice3A_72 = vector.extract_strided_slice %add3A_69 {offsets = [0, 0], sizes = [128, 896], strides = [1, 1]} : vector<128x1024xf32> to vector<128x896xf32>
      %concatenate3A_73 = tpu.concatenate %broadcast_in_dim3A_71, %slice3A_72 in 1 : vector<128x128xf32>, vector<128x896xf32> -> vector<128x1024xf32>
      %add3A_74 = arith.addf %add3A_69, %concatenate3A_73 : vector<128x1024xf32>
      %broadcast_in_dim3A_75 = arith.constant 0.000000e+00 : f32
      %broadcast_in_dim3A_76 = vector.broadcast %broadcast_in_dim3A_75 : f32 to vector<128x256xf32>
      %slice3A_77 = vector.extract_strided_slice %add3A_74 {offsets = [0, 0], sizes = [128, 768], strides = [1, 1]} : vector<128x1024xf32> to vector<128x768xf32>
      %concatenate3A_78 = tpu.concatenate %broadcast_in_dim3A_76, %slice3A_77 in 1 : vector<128x256xf32>, vector<128x768xf32> -> vector<128x1024xf32>
      %add3A_79 = arith.addf %add3A_74, %concatenate3A_78 : vector<128x1024xf32>
      %broadcast_in_dim3A_80 = arith.constant 0.000000e+00 : f32
      %broadcast_in_dim3A_81 = vector.broadcast %broadcast_in_dim3A_80 : f32 to vector<128x512xf32>
      %slice3A_82 = vector.extract_strided_slice %add3A_79 {offsets = [0, 0], sizes = [128, 512], strides = [1, 1]} : vector<128x1024xf32> to vector<128x512xf32>
      %concatenate3A_83 = tpu.concatenate %broadcast_in_dim3A_81, %slice3A_82 in 1 : vector<128x512xf32>, vector<128x512xf32> -> vector<128x1024xf32>
      %add3A_84 = arith.addf %add3A_79, %concatenate3A_83 : vector<128x1024xf32>
      %add3A_85 = vector.broadcast %while3A_27 : vector<128x1xf32> to vector<128x1024xf32>
      %add3A_86 = arith.addf %add3A_85, %add3A_84 : vector<128x1024xf32>
      %slice3A_87 = vector.extract_strided_slice %add3A_86 {offsets = [0, 0], sizes = [128, 1023], strides = [1, 1]} : vector<128x1024xf32> to vector<128x1023xf32>
      %concatenate3A_88 = tpu.concatenate %while3A_27, %slice3A_87 in 1 : vector<128x1xf32>, vector<128x1023xf32> -> vector<128x1024xf32>
      %ge3A_89 = vector.broadcast %get3A_1 : vector<128x1xf32> to vector<128x1024xf32>
      %ge3A_90 = arith.cmpf oge, %add3A_86, %ge3A_89 : vector<128x1024xf32>
      %lt3A = vector.broadcast %get3A_1 : vector<128x1xf32> to vector<128x1024xf32>
      %lt3A_91 = arith.cmpf olt, %concatenate3A_88, %lt3A : vector<128x1024xf32>
      %and3A = arith.andi %ge3A_90, %lt3A_91 : vector<128x1024xi1>
      %iota3A = tpu.iota {dimensions = array<i32: 1>} : vector<128x1024xi32>
      %add3A_92 = vector.broadcast %mul3A_37 : i32 to vector<128x1024xi32>
      %add3A_93 = arith.addi %add3A_92, %iota3A : vector<128x1024xi32>
      %reduce_or3A = arith.constant 1.000000e+00 : f32
      %reduce_or3A_94 = arith.constant 0.000000e+00 : f32
      %reduce_or3A_95 = vector.broadcast %reduce_or3A : f32 to vector<128x1024xf32>
      %reduce_or3A_96 = vector.broadcast %reduce_or3A_94 : f32 to vector<128x1024xf32>
      %reduce_or3A_97 = arith.select %and3A, %reduce_or3A_95, %reduce_or3A_96 : vector<128x1024xi1>, vector<128x1024xf32>
      %reduce_or3A_98 = arith.constant dense<0xFF800000> : vector<128xf32>
      %reduce_or3A_99 = vector.multi_reduction <maximumf>, %reduce_or3A_97, %reduce_or3A_98 [1] : vector<128x1024xf32> to vector<128xf32>
      %reduce_or3A_100 = arith.constant 0.000000e+00 : f32
      %reduce_or3A_101 = vector.broadcast %reduce_or3A_100 : f32 to vector<128xf32>
      %reduce_or3A_102 = arith.cmpf ogt, %reduce_or3A_99, %reduce_or3A_101 : vector<128xf32>
      %broadcast_in_dim3A_103 = vector.shape_cast %reduce_or3A_102 : vector<128xi1> to vector<128x1xi1>
      %jit3A = arith.constant 0 : i32
      %broadcast_in_dim3A_104 = vector.broadcast %jit3A : i32 to vector<128x1024xi32>
      %select_n3A = arith.select %and3A, %add3A_93, %broadcast_in_dim3A_104 : vector<128x1024xi1>, vector<128x1024xi32>
      %reduce_sum3A = arith.constant dense<0> : vector<128xi32>
      %reduce_sum3A_105 = vector.multi_reduction <add>, %select_n3A, %reduce_sum3A [1] : vector<128x1024xi32> to vector<128xi32>
      %broadcast_in_dim3A_106 = vector.shape_cast %reduce_sum3A_105 : vector<128xi32> to vector<128x1xi32>
      %select_n3A_107 = arith.select %broadcast_in_dim3A_103, %broadcast_in_dim3A_106, %while3A_28 : vector<128x1xi1>, vector<128x1xi32>
      %jit3A_108 = arith.constant 0.000000e+00 : f32
      %broadcast_in_dim3A_109 = vector.broadcast %jit3A_108 : f32 to vector<128x1024xf32>
      %select_n3A_110 = arith.select %and3A, %get3A_35, %broadcast_in_dim3A_109 : vector<128x1024xi1>, vector<128x1024xf32>
      %reduce_sum3A_111 = arith.constant dense<0.000000e+00> : vector<128xf32>
      %reduce_sum3A_112 = vector.multi_reduction <add>, %select_n3A_110, %reduce_sum3A_111 [1] : vector<128x1024xf32> to vector<128xf32>
      %broadcast_in_dim3A_113 = vector.shape_cast %reduce_sum3A_112 : vector<128xf32> to vector<128x1xf32>
      %add3A_114 = arith.addf %while3A_29, %broadcast_in_dim3A_113 : vector<128x1xf32>
      %slice3A_115 = vector.extract_strided_slice %add3A_86 {offsets = [0, 1023], sizes = [128, 1], strides = [1, 1]} : vector<128x1024xf32> to vector<128x1xf32>
      %add3A_116 = arith.constant 1 : i32
      %add3A_117 = arith.addi %while3A_26, %add3A_116 : i32
      scf.yield %add3A_117, %slice3A_115, %select_n3A_107, %add3A_114 : i32, vector<128x1xf32>, vector<128x1xi32>, vector<128x1xf32>
    }
    %ge3A = arith.cmpf oge, %while3A_7#1, %get3A_1 : vector<128x1xf32>
    %reduce_and3A = arith.constant 1.000000e+00 : f32
    %reduce_and3A_8 = arith.constant 0.000000e+00 : f32
    %reduce_and3A_9 = vector.broadcast %reduce_and3A : f32 to vector<128x1xf32>
    %reduce_and3A_10 = vector.broadcast %reduce_and3A_8 : f32 to vector<128x1xf32>
    %reduce_and3A_11 = arith.select %ge3A, %reduce_and3A_9, %reduce_and3A_10 : vector<128x1xi1>, vector<128x1xf32>
    %reduce_and3A_12 = vector.shape_cast %reduce_and3A_11 : vector<128x1xf32> to vector<1x128x1xf32>
    %reduce_and3A_13 = arith.constant dense<0x7F800000> : vector<1xf32>
    %reduce_and3A_14 = vector.multi_reduction <minimumf>, %reduce_and3A_12, %reduce_and3A_13 [1, 2] : vector<1x128x1xf32> to vector<1xf32>
    %reduce_and3A_15 = vector.shape_cast %reduce_and3A_14 : vector<1xf32> to vector<1x1x1xf32>
    %reduce_and3A_16 = vector.extract %reduce_and3A_15[0, 0, 0] : f32 from vector<1x1x1xf32>
    %reduce_and3A_17 = arith.constant 0.000000e+00 : f32
    %reduce_and3A_18 = arith.cmpf ogt, %reduce_and3A_16, %reduce_and3A_17 : f32
    %convert_element_type3A = arith.extui %reduce_and3A_18 : i1 to i32
    %cond3A = arith.constant 0 : i32
    %cond3A_19 = arith.cmpi ne, %convert_element_type3A, %cond3A : i32
    %cond3A_20:2 = scf.if %cond3A_19 -> (vector<128x1xi32>, vector<128x1xf32>) {
      scf.yield %while3A_7#2, %while3A_7#3 : vector<128x1xi32>, vector<128x1xf32>
    } else {
      %dma_start3A = arith.constant 0 : i32
      %dma_start3A_26 = arith.constant 99328 : i32
      %dma_start3A_27 = tpu.memref_slice %arg0[%dma_start3A, %dma_start3A_26] : memref<128x100000xf32, #tpu.memory_space<any>> -> memref<128x672xf32, #tpu.memory_space<any>>
      tpu.enqueue_dma source(%dma_start3A_27 : memref<128x672xf32, #tpu.memory_space<any>>) target(%arg5 : memref<128x672xf32, #tpu.memory_space<vmem>>) target_semaphore(%arg6 : memref<!tpu.dma_semaphore, #tpu.memory_space<semaphore_mem>>)
      %dma_wait3A = arith.constant 0 : i32
      %dma_wait3A_28 = arith.constant 99328 : i32
      %dma_wait3A_29 = tpu.memref_slice %arg0[%dma_wait3A, %dma_wait3A_28] : memref<128x100000xf32, #tpu.memory_space<any>> -> memref<128x672xf32, #tpu.memory_space<any>>
      tpu.wait_dma2 semaphore(%arg6 : memref<!tpu.dma_semaphore, #tpu.memory_space<semaphore_mem>>) src(%dma_wait3A_29 : memref<128x672xf32, #tpu.memory_space<any>>) dst(%arg5 : memref<128x672xf32, #tpu.memory_space<vmem>>)
      %get3A_30 = arith.constant 0 : index
      %get3A_31 = arith.constant 0 : index
      %get3A_32 = vector.load %arg5[%get3A_30, %get3A_31] : memref<128x672xf32, #tpu.memory_space<vmem>>, vector<128x672xf32>
      %exp3A = math.exp %get3A_32 : vector<128x672xf32>
      %broadcast_in_dim3A_33 = arith.constant 0.000000e+00 : f32
      %broadcast_in_dim3A_34 = vector.broadcast %broadcast_in_dim3A_33 : f32 to vector<128x1xf32>
      %slice3A = vector.extract_strided_slice %exp3A {offsets = [0, 0], sizes = [128, 671], strides = [1, 1]} : vector<128x672xf32> to vector<128x671xf32>
      %concatenate3A = tpu.concatenate %broadcast_in_dim3A_34, %slice3A in 1 : vector<128x1xf32>, vector<128x671xf32> -> vector<128x672xf32>
      %add3A = arith.addf %exp3A, %concatenate3A : vector<128x672xf32>
      %broadcast_in_dim3A_35 = arith.constant 0.000000e+00 : f32
      %broadcast_in_dim3A_36 = vector.broadcast %broadcast_in_dim3A_35 : f32 to vector<128x2xf32>
      %slice3A_37 = vector.extract_strided_slice %add3A {offsets = [0, 0], sizes = [128, 670], strides = [1, 1]} : vector<128x672xf32> to vector<128x670xf32>
      %concatenate3A_38 = tpu.concatenate %broadcast_in_dim3A_36, %slice3A_37 in 1 : vector<128x2xf32>, vector<128x670xf32> -> vector<128x672xf32>
      %add3A_39 = arith.addf %add3A, %concatenate3A_38 : vector<128x672xf32>
      %broadcast_in_dim3A_40 = arith.constant 0.000000e+00 : f32
      %broadcast_in_dim3A_41 = vector.broadcast %broadcast_in_dim3A_40 : f32 to vector<128x4xf32>
      %slice3A_42 = vector.extract_strided_slice %add3A_39 {offsets = [0, 0], sizes = [128, 668], strides = [1, 1]} : vector<128x672xf32> to vector<128x668xf32>
      %concatenate3A_43 = tpu.concatenate %broadcast_in_dim3A_41, %slice3A_42 in 1 : vector<128x4xf32>, vector<128x668xf32> -> vector<128x672xf32>
      %add3A_44 = arith.addf %add3A_39, %concatenate3A_43 : vector<128x672xf32>
      %broadcast_in_dim3A_45 = arith.constant 0.000000e+00 : f32
      %broadcast_in_dim3A_46 = vector.broadcast %broadcast_in_dim3A_45 : f32 to vector<128x8xf32>
      %slice3A_47 = vector.extract_strided_slice %add3A_44 {offsets = [0, 0], sizes = [128, 664], strides = [1, 1]} : vector<128x672xf32> to vector<128x664xf32>
      %concatenate3A_48 = tpu.concatenate %broadcast_in_dim3A_46, %slice3A_47 in 1 : vector<128x8xf32>, vector<128x664xf32> -> vector<128x672xf32>
      %add3A_49 = arith.addf %add3A_44, %concatenate3A_48 : vector<128x672xf32>
      %broadcast_in_dim3A_50 = arith.constant 0.000000e+00 : f32
      %broadcast_in_dim3A_51 = vector.broadcast %broadcast_in_dim3A_50 : f32 to vector<128x16xf32>
      %slice3A_52 = vector.extract_strided_slice %add3A_49 {offsets = [0, 0], sizes = [128, 656], strides = [1, 1]} : vector<128x672xf32> to vector<128x656xf32>
      %concatenate3A_53 = tpu.concatenate %broadcast_in_dim3A_51, %slice3A_52 in 1 : vector<128x16xf32>, vector<128x656xf32> -> vector<128x672xf32>
      %add3A_54 = arith.addf %add3A_49, %concatenate3A_53 : vector<128x672xf32>
      %broadcast_in_dim3A_55 = arith.constant 0.000000e+00 : f32
      %broadcast_in_dim3A_56 = vector.broadcast %broadcast_in_dim3A_55 : f32 to vector<128x32xf32>
      %slice3A_57 = vector.extract_strided_slice %add3A_54 {offsets = [0, 0], sizes = [128, 640], strides = [1, 1]} : vector<128x672xf32> to vector<128x640xf32>
      %concatenate3A_58 = tpu.concatenate %broadcast_in_dim3A_56, %slice3A_57 in 1 : vector<128x32xf32>, vector<128x640xf32> -> vector<128x672xf32>
      %add3A_59 = arith.addf %add3A_54, %concatenate3A_58 : vector<128x672xf32>
      %broadcast_in_dim3A_60 = arith.constant 0.000000e+00 : f32
      %broadcast_in_dim3A_61 = vector.broadcast %broadcast_in_dim3A_60 : f32 to vector<128x64xf32>
      %slice3A_62 = vector.extract_strided_slice %add3A_59 {offsets = [0, 0], sizes = [128, 608], strides = [1, 1]} : vector<128x672xf32> to vector<128x608xf32>
      %concatenate3A_63 = tpu.concatenate %broadcast_in_dim3A_61, %slice3A_62 in 1 : vector<128x64xf32>, vector<128x608xf32> -> vector<128x672xf32>
      %add3A_64 = arith.addf %add3A_59, %concatenate3A_63 : vector<128x672xf32>
      %broadcast_in_dim3A_65 = arith.constant 0.000000e+00 : f32
      %broadcast_in_dim3A_66 = vector.broadcast %broadcast_in_dim3A_65 : f32 to vector<128x128xf32>
      %slice3A_67 = vector.extract_strided_slice %add3A_64 {offsets = [0, 0], sizes = [128, 544], strides = [1, 1]} : vector<128x672xf32> to vector<128x544xf32>
      %concatenate3A_68 = tpu.concatenate %broadcast_in_dim3A_66, %slice3A_67 in 1 : vector<128x128xf32>, vector<128x544xf32> -> vector<128x672xf32>
      %add3A_69 = arith.addf %add3A_64, %concatenate3A_68 : vector<128x672xf32>
      %broadcast_in_dim3A_70 = arith.constant 0.000000e+00 : f32
      %broadcast_in_dim3A_71 = vector.broadcast %broadcast_in_dim3A_70 : f32 to vector<128x256xf32>
      %slice3A_72 = vector.extract_strided_slice %add3A_69 {offsets = [0, 0], sizes = [128, 416], strides = [1, 1]} : vector<128x672xf32> to vector<128x416xf32>
      %concatenate3A_73 = tpu.concatenate %broadcast_in_dim3A_71, %slice3A_72 in 1 : vector<128x256xf32>, vector<128x416xf32> -> vector<128x672xf32>
      %add3A_74 = arith.addf %add3A_69, %concatenate3A_73 : vector<128x672xf32>
      %broadcast_in_dim3A_75 = arith.constant 0.000000e+00 : f32
      %broadcast_in_dim3A_76 = vector.broadcast %broadcast_in_dim3A_75 : f32 to vector<128x512xf32>
      %slice3A_77 = vector.extract_strided_slice %add3A_74 {offsets = [0, 0], sizes = [128, 160], strides = [1, 1]} : vector<128x672xf32> to vector<128x160xf32>
      %concatenate3A_78 = tpu.concatenate %broadcast_in_dim3A_76, %slice3A_77 in 1 : vector<128x512xf32>, vector<128x160xf32> -> vector<128x672xf32>
      %add3A_79 = arith.addf %add3A_74, %concatenate3A_78 : vector<128x672xf32>
      %add3A_80 = vector.broadcast %while3A_7#1 : vector<128x1xf32> to vector<128x672xf32>
      %add3A_81 = arith.addf %add3A_80, %add3A_79 : vector<128x672xf32>
      %slice3A_82 = vector.extract_strided_slice %add3A_81 {offsets = [0, 0], sizes = [128, 671], strides = [1, 1]} : vector<128x672xf32> to vector<128x671xf32>
      %concatenate3A_83 = tpu.concatenate %while3A_7#1, %slice3A_82 in 1 : vector<128x1xf32>, vector<128x671xf32> -> vector<128x672xf32>
      %ge3A_84 = vector.broadcast %get3A_1 : vector<128x1xf32> to vector<128x672xf32>
      %ge3A_85 = arith.cmpf oge, %add3A_81, %ge3A_84 : vector<128x672xf32>
      %lt3A = vector.broadcast %get3A_1 : vector<128x1xf32> to vector<128x672xf32>
      %lt3A_86 = arith.cmpf olt, %concatenate3A_83, %lt3A : vector<128x672xf32>
      %and3A = arith.andi %ge3A_85, %lt3A_86 : vector<128x672xi1>
      %iota3A = tpu.iota {dimensions = array<i32: 1>} : vector<128x672xi32>
      %add3A_87 = arith.constant 99328 : i32
      %add3A_88 = vector.broadcast %add3A_87 : i32 to vector<128x672xi32>
      %add3A_89 = arith.addi %add3A_88, %iota3A : vector<128x672xi32>
      %reduce_or3A = arith.constant 1.000000e+00 : f32
      %reduce_or3A_90 = arith.constant 0.000000e+00 : f32
      %reduce_or3A_91 = vector.broadcast %reduce_or3A : f32 to vector<128x672xf32>
      %reduce_or3A_92 = vector.broadcast %reduce_or3A_90 : f32 to vector<128x672xf32>
      %reduce_or3A_93 = arith.select %and3A, %reduce_or3A_91, %reduce_or3A_92 : vector<128x672xi1>, vector<128x672xf32>
      %reduce_or3A_94 = arith.constant dense<0xFF800000> : vector<128xf32>
      %reduce_or3A_95 = vector.multi_reduction <maximumf>, %reduce_or3A_93, %reduce_or3A_94 [1] : vector<128x672xf32> to vector<128xf32>
      %reduce_or3A_96 = arith.constant 0.000000e+00 : f32
      %reduce_or3A_97 = vector.broadcast %reduce_or3A_96 : f32 to vector<128xf32>
      %reduce_or3A_98 = arith.cmpf ogt, %reduce_or3A_95, %reduce_or3A_97 : vector<128xf32>
      %broadcast_in_dim3A_99 = vector.shape_cast %reduce_or3A_98 : vector<128xi1> to vector<128x1xi1>
      %jit3A = arith.constant 0 : i32
      %broadcast_in_dim3A_100 = vector.broadcast %jit3A : i32 to vector<128x672xi32>
      %select_n3A = arith.select %and3A, %add3A_89, %broadcast_in_dim3A_100 : vector<128x672xi1>, vector<128x672xi32>
      %reduce_sum3A = arith.constant dense<0> : vector<128xi32>
      %reduce_sum3A_101 = vector.multi_reduction <add>, %select_n3A, %reduce_sum3A [1] : vector<128x672xi32> to vector<128xi32>
      %broadcast_in_dim3A_102 = vector.shape_cast %reduce_sum3A_101 : vector<128xi32> to vector<128x1xi32>
      %select_n3A_103 = arith.select %broadcast_in_dim3A_99, %broadcast_in_dim3A_102, %while3A_7#2 : vector<128x1xi1>, vector<128x1xi32>
      %jit3A_104 = arith.constant 0.000000e+00 : f32
      %broadcast_in_dim3A_105 = vector.broadcast %jit3A_104 : f32 to vector<128x672xf32>
      %select_n3A_106 = arith.select %and3A, %get3A_32, %broadcast_in_dim3A_105 : vector<128x672xi1>, vector<128x672xf32>
      %reduce_sum3A_107 = arith.constant dense<0.000000e+00> : vector<128xf32>
      %reduce_sum3A_108 = vector.multi_reduction <add>, %select_n3A_106, %reduce_sum3A_107 [1] : vector<128x672xf32> to vector<128xf32>
      %broadcast_in_dim3A_109 = vector.shape_cast %reduce_sum3A_108 : vector<128xf32> to vector<128x1xf32>
      %add3A_110 = arith.addf %while3A_7#3, %broadcast_in_dim3A_109 : vector<128x1xf32>
      scf.yield %select_n3A_103, %add3A_110 : vector<128x1xi32>, vector<128x1xf32>
    }
    %swap3A = arith.constant 0 : index
    %swap3A_21 = arith.constant 0 : index
    %swap3A_22 = vector.load %arg2[%swap3A, %swap3A_21] : memref<128x1xi32, #tpu.memory_space<vmem>>, vector<128x1xi32>
    tpu.vector_store %arg2[%swap3A, %swap3A_21], %cond3A_20#0 {strides = array<i32>} : memref<128x1xi32, #tpu.memory_space<vmem>>, vector<128x1xi32>,
    %swap3A_23 = arith.constant 0 : index
    %swap3A_24 = arith.constant 0 : index
    %swap3A_25 = vector.load %arg3[%swap3A_23, %swap3A_24] : memref<128x1xf32, #tpu.memory_space<vmem>>, vector<128x1xf32>
    tpu.vector_store %arg3[%swap3A_23, %swap3A_24], %cond3A_20#1 {strides = array<i32>} : memref<128x1xf32, #tpu.memory_space<vmem>>, vector<128x1xf32>,
    return
  }
}

</mosaic_0001>

<sc_bundles>
// kernel: kernel.5.cloned.1.call-start
scs
__scs_entry_jumppad:
0x0: {  	(pc) =	sbr.rel $0x88, $3  }
0x1: {  	(tag) =	ssettag $0x0;
	lr =	simm.s32 $0x1  }
0x2: {  	[smem:$0x3F9F] =	sst lr;
	_ =	strace $0xD0000000  }
0x3: {  	_ = 	snop  }
0x4: {  	_ = 	snop  }
0x5: {  	_ = 	snop  }
0x6: {  	_ = 	snop  }
0x7: {  	_ = 	snop  }
__scs_overlays_trampoline_lowered:
0x8: {  	[smem:$0x3FAE] =	sst s0  }
0x9: {  	[smem:$0x3FAF] =	sst s1  }
0xa: {  	[smem:$0x3FB0] =	sst s2  }
0xb: {  	[smem:$0x3FB1] =	sst s3  }
0xc: {  	[smem:$0x3FB2] =	sst s4  }
0xd: {  	[smem:$0x3FB3] =	sst s5  }
0xe: {  	[smem:$0x3FB4] =	sst s6  }
0xf: {  	[smem:$0x3FB5] =	sst s7  }
0x10: {  	[smem:$0x3FB6] =	sst s8  }
0x11: {  	[smem:$0x3FB7] =	sst s9;
	s0 =	simm.s32 @!p0 $0x0  }
0x12: {  	s1 =	sld [smem:$0x3F9D];
	s0 =	simm.s32 @p0 $0x1  }
0x13: {  	[smem:$0x3FB8] =	sst s0;
	s0 =	simm.s32 @!p1 $0x0  }
0x14: {  	s2 =	sld [smem:$0x3F9C];
	s0 =	simm.s32 @p1 $0x1  }
0x15: {  	[smem:$0x3FB9] =	sst s0;
	s0 =	simm.s32 @!p2 $0x0  }
0x16: {  	s3 =	sld [smem:$0x3FDB];
	s0 =	simm.s32 @p2 $0x1  }
0x17: {  	s4 =	simm.s32 $0x1BF5;
	[smem:$0x3FBB] =	sst s0  }
0x18: {  	s0 =	sld [smem:$0x3F9E];
	_ =	swait.ge [sflag:s4], $0x0  }
0x19: {  	s7 =	sld [smem:$0x3F9F]  }
0x1a: {  	s8 =	sadd.s32 $0xFFFFE003, lr  }
0x1b: {  	s9 =	sadd.s32 $0xFFFFFEF7, lr;
	s5 =	simm.s32 $0xFFFFFFFF;
	p2 =	slt.u32 s8, $0xFFFFF086  }
0x1c: {  	p1 =	slt.u32 s9, $0xF7A;
	s5 =	simm.s32 @!p2 $0x0  }
0x1d: {  	s5 =	simm.s32 @p1 $0x1;
	p0 =	seq.s32 s7, s2  }
0x1e: {  	s7 =	smul.u32 @!p0 $0xF7A, s2;
	p2 =	seq.s32 @!p0 s5, $0x0  }
0x1f: {  	s9 =	smul.u32 $0xF7A, s1;
	s8 =	simm.s32 @!p0 $0x1BF5;
	p2 =	por !p2, p0  }
0x20: {  	[sflag:s8] =	ssyncset.s32 @!p0 $0xFFFFF086;
	s6 =	sadd.s32 @!p0 s3, s7;
	s7 =	simm.s32 @!p0 $0x108  }
0x21: {  	s3 =	sadd.s32 s3, s9;
	s6 =	sadd.s32 @!p0 $0x88, s6;
	s7 =	simm.s32 @p2 $0x1082  }
0x22: {  	[simem:s7], [sflag:s8] =	dma.local @!p0 [hbm:s6], $0xF7A  }
0x23: {  	s9 =	sor.u32 $0xD0000000, s2;
	s6 =	simm.s32 $0x108;
	_ =	swait.ge @!p0 [sflag:s8], $0x0  }
0x24: {  	s3 =	sadd.s32 $0x88, s3;
	s6 =	simm.s32 @!p1 $0x1082;
	[sflag:s4] =	ssyncset.s32 $0xFFFFF086  }
0x25: {  	[simem:s6], [sflag:s4] =	dma.local [hbm:s3], $0xF7A  }
0x26: {  	[smem:$0x3F9F] =	sst s1;
	(tag) =	ssettag s2;
	_ =	strace s9  }
0x27: {  	s1 =	sld [smem:$0x3FAF]  }
0x28: {  	s2 =	sld [smem:$0x3FB0]  }
0x29: {  	s4 =	sld [smem:$0x3FB2]  }
0x2a: {  	p0 =	seq.s32 s5, $0x0;
	s5 =	sld [smem:$0x3FB3]  }
0x2b: {  	s6 =	sld [smem:$0x3FB4]  }
0x2c: {  	s7 =	sld [smem:$0x3FB5]  }
0x2d: {  	s3 =	simm.s32 $0x108;
	s8 =	sld [smem:$0x3FB6]  }
0x2e: {  	s3 =	simm.s32 @!p0 $0x1082;
	s9 =	sld [smem:$0x3FB7]  }
0x2f: {  	lr =	sadd.s32 s0, s3;
	s0 =	sld [smem:$0x3FAE]  }
0x30: {  	s3 =	sld [smem:$0x3FB1]  }
0x31: {  	[smem:$0x3FBA] =	sst s10  }
0x32: {  	s10 =	sld [smem:$0x3FB8];
	_ =	sdelay $0x3  }
0x33: {  	p0 =	seq.s32 s10, $0x1;
	s10 =	sld [smem:$0x3FBA];
	_ =	sdelay $0x3  }
0x34: {  	[smem:$0x3FBA] =	sst s10  }
0x35: {  	s10 =	sld [smem:$0x3FB9];
	_ =	sdelay $0x3  }
0x36: {  	p1 =	seq.s32 s10, $0x1;
	s10 =	sld [smem:$0x3FBA];
	_ =	sdelay $0x3  }
0x37: {  	[smem:$0x3FBA] =	sst s10  }
0x38: {  	s10 =	sld [smem:$0x3FBB]  }
0x39: {  	_ = 	snop;
	(pc) =	sbr.ind lr, $3  }
0x3a: {  	_ = 	snop  }
0x3b: {  	_ = 	snop  }
0x3c: {  	p2 =	seq.s32 s10, $0x1;
	s10 =	sld [smem:$0x3FBA]  }
0x3d: {  	_ =	shalt  }
0x3e: {  	_ =	shalt  }
0x3f: {  	_ =	shalt  }
0x40: {  	_ =	shalt  }
0x41: {  	_ =	shalt  }
0x42: {  	_ =	shalt  }
0x43: {  	_ =	shalt  }
0x44: {  	_ =	shalt  }
0x45: {  	_ =	shalt  }
0x46: {  	_ =	shalt  }
0x47: {  	_ =	shalt  }
0x48: {  	_ =	shalt  }
0x49: {  	_ =	shalt  }
0x4a: {  	_ =	shalt  }
0x4b: {  	_ =	shalt  }
0x4c: {  	_ =	shalt  }
0x4d: {  	_ =	shalt  }
0x4e: {  	_ =	shalt  }
0x4f: {  	_ =	shalt  }
0x50: {  	_ =	shalt  }
0x51: {  	_ =	shalt  }
0x52: {  	_ =	shalt  }
0x53: {  	_ =	shalt  }
0x54: {  	_ =	shalt  }
0x55: {  	_ =	shalt  }
0x56: {  	_ =	shalt  }
0x57: {  	_ =	shalt  }
0x58: {  	_ =	shalt  }
0x59: {  	_ =	shalt  }
0x5a: {  	_ =	shalt  }
0x5b: {  	_ =	shalt  }
0x5c: {  	_ =	shalt  }
0x5d: {  	_ =	shalt  }
0x5e: {  	_ =	shalt  }
0x5f: {  	_ =	shalt  }
0x60: {  	_ =	shalt  }
0x61: {  	_ =	shalt  }
0x62: {  	_ =	shalt  }
0x63: {  	_ =	shalt  }
0x64: {  	_ =	shalt  }
0x65: {  	_ =	shalt  }
0x66: {  	_ =	shalt  }
0x67: {  	_ =	shalt  }
0x68: {  	_ =	shalt  }
0x69: {  	_ =	shalt  }
0x6a: {  	_ =	shalt  }
0x6b: {  	_ =	shalt  }
0x6c: {  	_ =	shalt  }
0x6d: {  	_ =	shalt  }
0x6e: {  	_ =	shalt  }
0x6f: {  	_ =	shalt  }
0x70: {  	_ =	shalt  }
0x71: {  	_ =	shalt  }
0x72: {  	_ =	shalt  }
0x73: {  	_ =	shalt  }
0x74: {  	_ =	shalt  }
0x75: {  	_ =	shalt  }
0x76: {  	_ =	shalt  }
0x77: {  	_ =	shalt  }
0x78: {  	_ =	shalt  }
0x79: {  	_ =	shalt  }
0x7a: {  	_ =	shalt  }
0x7b: {  	_ =	shalt  }
0x7c: {  	_ =	shalt  }
0x7d: {  	_ =	shalt  }
0x7e: {  	_ =	shalt  }
0x7f: {  	_ =	shalt  }
0x80: {  	_ =	shalt  }
0x81: {  	_ =	shalt  }
0x82: {  	_ =	shalt  }
0x83: {  	_ =	shalt  }
0x84: {  	_ =	shalt  }
0x85: {  	_ =	shalt  }
0x86: {  	_ =	shalt  }
0x87: {  	_ =	shalt  }
.Lfunc_end0:
.L_simem_size_0:
called_computation_lowered:
.L_overlay_start_0:
0x88: {  	s2 =	sld [smem:$0x3FD9]  }
0x89: {  	s3 =	sld [smem:$0x3FFE];
	_ =	sdelay $0x1  }
0x8a: {  	s1 =	srdreg.scid  }
0x8b: {  	s0 =	sand.u32 $0x1, s1  }
0x8c: {  	s16 =	sshll.u32 s0, $0xA;
	s2 =	sadd.s32 s3, s2  }
0x8d: {  	s2 =	sadd.s32 s2, s16  }
0x8e: {  	[smem:$0x3FC6] =	sst s2  }
0x8f: {  	_ = 	snop  }
0x90: {  	(tm) =	ssettm $0x1  }
0x91: {  	s17 =	sld [smem:$0x3FFB];
	_ =	sdelay $0x3  }
0x92: {  	_ =	strace s17  }
0x93: {  	s2 =	sld [smem:$0x3FFC];
	_ =	sdelay $0x3  }
0x94: {  	_ =	strace s2  }
0x95: {  	s2 =	sld [smem:$0x3FFD];
	_ =	sdelay $0x3  }
0x96: {  	_ =	strace s2  }
0x97: {  	_ =	strace $0x8FFFFFFF  }
0x98: {  	s18 =	sld [smem:$0x3FDB];
	_ =	sdelay $0x1  }
0x99: {  	s19 =	simm.s32 $_scs_section_size  }
0x9a: {  	s4 =	simm.s32 $_size__tile_overlayer_lowered;
	s5 =	simm.s32 $_tile_overlayer_lowered  }
0x9b: {  	s22 =	simm.s32 $0x1BFF;
	s21 =	sshll.u32 s5, $0x1;
	s2 =	sadd.s32 s19, s18  }
0x9c: {  	s6 =	simm.s32 $0x0;
	s20 =	sshll.u32 s4, $0x1;
	s4 =	sadd.s32 s21, s2  }
0x9d: {  	[timem:s6], [sflag:s22] =	dma.local [hbm:s4], s20  }
0x9e: {  	_ =	swait.ge [sflag:s22], s20  }
0x9f: {  	s3 =	ssub.s32 $0x0, s20;
	[sflag:s22] =	ssyncset.done $0x0  }
0xa0: {  	[sflag:s22] =	ssyncadd.s32 s3;
	_ =	sdelay $0x1  }
0xa1: {  	s23 =	simm.s32 $0x1B8B  }
0xa2: {  	_ =	swait.ge [sflag:s23], $0x1  }
0xa3: {  	[sflag:s23] =	ssyncset.done $0x0  }
0xa4: {  	s25 =	simm.s32 $0x1B8E;
	s24 =	sld [smem:$0x3FFE];
	[sflag:s23] =	ssyncadd.s32 $0xFFFFFFFF  }
0xa5: {  	s26 =	simm.s32 $execute0_lowered;
	[smem:$0x3FD2] =	sst s25  }
0xa6: {  	s4 =	sshll.u32 s26, $0x1;
	_ =	strace $0x80000046;
	[dreg:$0x1] =	wrdreg $0xFFFFFFFF  }
0xa7: {  	s28 =	simm.s32 $_size_execute0_lowered;
	s2 =	sadd.s32 s2, s4;
	[dreg:$0x0] =	wrdreg $0x0  }
0xa8: {  	s4 =	sshll.u32 s28, $0x1;
	[dreg:$0x2] =	wrdreg s2  }
0xa9: {  	[dreg:$0x3] =	wrdreg s4  }
0xaa: {  	[dreg:$0x4] =	wrdreg $0xC0  }
0xab: {  	_ =	task [dreg:s6], $0x5FFFF  }
0xac: {  	[dreg:$0x1] =	wrdreg $0xFFFFFFFF  }
0xad: {  	[dreg:$0x0] =	wrdreg $0x60  }
0xae: {  	[dreg:$0x2] =	wrdreg s24  }
0xaf: {  	[dreg:$0x3] =	wrdreg $0x48000  }
0xb0: {  	[dreg:$0x4] =	wrdreg $0x9  }
0xb1: {  	_ =	task.clear_ibuf [dreg:s6], $0x5FFFF;
	_ =	strace $0x90000046  }
0xb2: {  	s29 =	simm.s32 $0x9;
	_ =	strace $0x80000048  }
0xb3: {  	_ =	swait.ge [sflag:s29], $0x1  }
0xb4: {  	[sflag:s29] =	ssyncadd.s32 $0xFFFFFFFF  }
0xb5: {  	_ =	strace $0x90000048  }
0xb6: {  	_ =	sfence  }
0xb7: {  	s30 =	sld [smem:$0x0];
	_ =	sdelay $0x2  }
0xb8: {  	s31 =	sshll.u32 s1, $0xD;
	s1 =	sshrl.u32 s1, $0x2  }
0xb9: {  	s3 =	sand.u32 $0x4000, s31;
	s1 =	sadd.s32 s1, s30  }
0xba: {  	s0 =	sor.u32 s3, s0;
	s1 =	sshll.u32 s1, $0x11  }
0xbb: {  	s0 =	sor.u32 s1, s0  }
0xbc: {  	s0 =	sadd.s32 $0x8F2B, s0  }
0xbd: {  	[sflag:s0] =	ssyncadd.remote.s32 $0x1  }
0xbe: {  	_ =	sfence.sel $0xFFFF  }
0xbf: {  	[dreg:$0x0] =	wrdreg $0xFFFFFFFF;
	(pc) =	sbr.abs _section_cstart, $3  }
0xc0: {  	[dreg:$0x1] =	wrdreg $0xFFFFFFFF  }
0xc1: {  	_ =	task.clear_ibuf [dreg:s6], $0x2FFFF;
	_ =	strace $0x9FFFFFFF  }
0xc2: {  	(tm) =	ssettm $0x7FFFFFFF  }
0xc3: {  	_ =	shalt  }
tec
execute0_lowered:
.L_overlay_start_1:
0x0: {  	(tag) =	ssettag $0x1  }
0x1: {  	s0 =	srdreg.scid;
	s4 =	rddreg [dreg:$0x0]  }
0x2: {  	s2 =	rddreg [dreg:$0x1];
	s1 =	stileid.u32;
	s5 =	sand.u32 $0x1, s0  }
0x3: {  	s0 =	rddreg [dreg:$0x2];
	s7 =	sand.u32 $0x1, s1;
	s3 =	sshll.u32 s5, $0x4  }
0x4: {  	s8 =	sadd.s32 $0x400, s4;
	s28 =	smul.u32 $0x11000, s1;
	s6 =	sor.u32 s1, s3  }
0x5: {  	p1 =	seq.s32 s7, $0x1;
	s7 =	simm.s32 $0x1;
	p0 =	seq.s32 s6, $0x0  }
0x6: {  	s5 =	ssub.s32 $0x2, s5;
	s3 =	simm.s32 $0x0;
	p0 =	por !p0, !p1  }
0x7: {  	s9 =	sshrl.u32 s5, $0x1;
	s29 =	sshrl.u32 s28, $0x2;
	p0 =	por !p0, !p0  }
0x8: {  	[smem:$0x7FF] =	sst s3;
	s26 =	sshrl.u32 s6, $0x1;
	s7 =	simm.s32 @!p0 $0x0  }
0x9: {  	s9 =	ssub.s32 s5, s9;
	_ =	strace $0x80000047;
	s4 =	ssub.s32 s26, s7  }
0xa: {  	s9 =	smax.u32 s9, $0x1;
	s10 =	sshll.u32 s4, $0x1;
	s11 =	smul.u32 $0xC3800, s4  }
0xb: {  	p1 =	sgt.u32 s1, $0x6;
	s4 =	sadd.s32 s29, s2;
	s10 =	ssub.s32 s6, s10  }
0xc: {  	s5 =	sadd.s32 $0x44000, s4;
	s30 =	sshrl.u32 s11, $0x3;
	s31 =	sadd.s32 $0xC3400, s11  }
0xd: {  	p0 =	seq.s32 s10, $0x1;
	s6 =	sadd.s32 s8, s30;
	s11 =	sshrl.u32 s31, $0x3  }
0xe: {  	p2 =	sne.s32 @!p0 s10, $0x0;
	s10 =	simm.s32 $0x2;
	s7 =	sadd.s32 $0xC380, s6  }
0xf: {  	v0 =	vimm.f32 $-Inf;
	s8 =	sadd.s32 s8, s11;
	p2 =	por p2, p0;
	s11 =	simm.s32 $0x0  }
.LBB2_1:
0x10: {  	s12 =	sand.u32 $0x70, s3;
	s13 =	sand.u32 $0x7C00, s3  }
0x11: {  	s13 =	sor.u32 s12, s13  }
0x12: {  	s12 =	simm.s32 $0x10;
	[tilespmem:s13+$0x0] =	vst v0;
	s13 =	simm.s32 $0x0  }
.LBB2_2:
0x13: {  	p3 =	sne.s32 s12, $0x870  }
.Ltmp0:
0x14: {  	_ = 	snop;
	(pc) =	sbr.rel @p3 .LBB2_2-.Ltmp0, $4  }
0x15: {  	s13 =	sadd.s32 $0x80, s13  }
0x16: {  	s14 =	sand.u32 $0x70, s12;
	s15 =	sand.u32 $0x7C00, s13  }
0x17: {  	s14 =	sor.u32 s14, s15  }
0x18: {  	s12 =	sadd.s32 $0x10, s12;
	[tilespmem:s14+$0x0] =	vst v0  }
0x19: {  	s12 =	simm.s32 $0x0  }
0x1a: {  	[tilespmem:$0x4400] =	vst v0;
	s13 =	sand.u32 $0x70, s12;
	s14 =	sand.u32 $0x7C00, s12  }
0x1b: {  	[tilespmem:$0x4410] =	vst v0;
	s14 =	sor.u32 s13, s14  }
0x1c: {  	s13 =	simm.s32 $0x10;
	[tilespmem:s14+$0x80] =	vst v0  }
.LBB2_4:
0x1d: {  	p3 =	sne.s32 s13, $0x870  }
.Ltmp1:
0x1e: {  	_ = 	snop;
	(pc) =	sbr.rel @p3 .LBB2_4-.Ltmp1, $4  }
0x1f: {  	s12 =	sadd.s32 $0x80, s12  }
0x20: {  	s14 =	sand.u32 $0x70, s13;
	s15 =	sand.u32 $0x7C00, s12  }
0x21: {  	s14 =	sor.u32 s14, s15  }
0x22: {  	s13 =	sadd.s32 $0x10, s13;
	[tilespmem:s14+$0x80] =	vst v0  }
0x23: {  	s12 =	simm.s32 $0x0  }
0x24: {  	[tilespmem:$0x4480] =	vst v0;
	s13 =	sand.u32 $0x70, s12;
	s14 =	sand.u32 $0x7C00, s12  }
0x25: {  	[tilespmem:$0x4490] =	vst v0;
	s14 =	sor.u32 s13, s14  }
0x26: {  	s13 =	simm.s32 $0x10;
	[tilespmem:s14+$0x100] =	vst v0  }
.LBB2_6:
0x27: {  	p3 =	sne.s32 s13, $0x870  }
.Ltmp2:
0x28: {  	_ = 	snop;
	(pc) =	sbr.rel @p3 .LBB2_6-.Ltmp2, $4  }
0x29: {  	s12 =	sadd.s32 $0x80, s12  }
0x2a: {  	s14 =	sand.u32 $0x70, s13;
	s15 =	sand.u32 $0x7C00, s12  }
0x2b: {  	s14 =	sor.u32 s14, s15  }
0x2c: {  	s13 =	sadd.s32 $0x10, s13;
	[tilespmem:s14+$0x100] =	vst v0  }
0x2d: {  	s12 =	simm.s32 $0x0  }
0x2e: {  	[tilespmem:$0x4500] =	vst v0;
	s13 =	sand.u32 $0x70, s12;
	s14 =	sand.u32 $0x7C00, s12  }
0x2f: {  	[tilespmem:$0x4510] =	vst v0;
	s14 =	sor.u32 s13, s14  }
0x30: {  	s13 =	simm.s32 $0x10;
	[tilespmem:s14+$0x180] =	vst v0  }
.LBB2_8:
0x31: {  	p3 =	sne.s32 s13, $0x870  }
.Ltmp3:
0x32: {  	_ = 	snop;
	(pc) =	sbr.rel @p3 .LBB2_8-.Ltmp3, $4  }
0x33: {  	s12 =	sadd.s32 $0x80, s12  }
0x34: {  	s14 =	sand.u32 $0x70, s13;
	s15 =	sand.u32 $0x7C00, s12  }
0x35: {  	s14 =	sor.u32 s14, s15  }
0x36: {  	s13 =	sadd.s32 $0x10, s13;
	[tilespmem:s14+$0x180] =	vst v0  }
0x37: {  	s12 =	simm.s32 $0x0  }
0x38: {  	[tilespmem:$0x4580] =	vst v0;
	s13 =	sand.u32 $0x70, s12;
	s14 =	sand.u32 $0x7C00, s12  }
0x39: {  	[tilespmem:$0x4590] =	vst v0;
	s14 =	sor.u32 s13, s14  }
0x3a: {  	s13 =	simm.s32 $0x10;
	[tilespmem:s14+$0x200] =	vst v0  }
.LBB2_10:
0x3b: {  	p3 =	sne.s32 s13, $0x870  }
.Ltmp4:
0x3c: {  	_ = 	snop;
	(pc) =	sbr.rel @p3 .LBB2_10-.Ltmp4, $4  }
0x3d: {  	s12 =	sadd.s32 $0x80, s12  }
0x3e: {  	s14 =	sand.u32 $0x70, s13;
	s15 =	sand.u32 $0x7C00, s12  }
0x3f: {  	s14 =	sor.u32 s14, s15  }
0x40: {  	s13 =	sadd.s32 $0x10, s13;
	[tilespmem:s14+$0x200] =	vst v0  }
0x41: {  	s12 =	simm.s32 $0x0  }
0x42: {  	[tilespmem:$0x4600] =	vst v0;
	s13 =	sand.u32 $0x70, s12;
	s14 =	sand.u32 $0x7C00, s12  }
0x43: {  	[tilespmem:$0x4610] =	vst v0;
	s14 =	sor.u32 s13, s14  }
0x44: {  	s13 =	simm.s32 $0x10;
	[tilespmem:s14+$0x280] =	vst v0  }
.LBB2_12:
0x45: {  	p3 =	sne.s32 s13, $0x870  }
.Ltmp5:
0x46: {  	_ = 	snop;
	(pc) =	sbr.rel @p3 .LBB2_12-.Ltmp5, $4  }
0x47: {  	s12 =	sadd.s32 $0x80, s12  }
0x48: {  	s14 =	sand.u32 $0x70, s13;
	s15 =	sand.u32 $0x7C00, s12  }
0x49: {  	s14 =	sor.u32 s14, s15  }
0x4a: {  	s13 =	sadd.s32 $0x10, s13;
	[tilespmem:s14+$0x280] =	vst v0  }
0x4b: {  	s12 =	simm.s32 $0x0  }
0x4c: {  	[tilespmem:$0x4680] =	vst v0;
	s13 =	sand.u32 $0x70, s12;
	s14 =	sand.u32 $0x7C00, s12  }
0x4d: {  	[tilespmem:$0x4690] =	vst v0;
	s14 =	sor.u32 s13, s14  }
0x4e: {  	s13 =	simm.s32 $0x10;
	[tilespmem:s14+$0x300] =	vst v0  }
.LBB2_14:
0x4f: {  	p3 =	sne.s32 s13, $0x870  }
.Ltmp6:
0x50: {  	_ = 	snop;
	(pc) =	sbr.rel @p3 .LBB2_14-.Ltmp6, $4  }
0x51: {  	s12 =	sadd.s32 $0x80, s12  }
0x52: {  	s14 =	sand.u32 $0x70, s13;
	s15 =	sand.u32 $0x7C00, s12  }
0x53: {  	s14 =	sor.u32 s14, s15  }
0x54: {  	s13 =	sadd.s32 $0x10, s13;
	[tilespmem:s14+$0x300] =	vst v0  }
0x55: {  	s12 =	simm.s32 $0x0  }
0x56: {  	s13 =	sand.u32 $0x7, s12  }
0x57: {  	s13 =	sshll.u32 s13, $0x4  }
0x58: {  	[tilespmem:$0x4700] =	vst v0;
	s13 =	sadd.s32 $0x0, s13  }
0x59: {  	[tilespmem:$0x4710] =	vst v0;
	s14 =	sor.u32 $0x380, s13  }
0x5a: {  	s13 =	simm.s32 $0x10;
	[tilespmem:s14+$0x0] =	vst v0;
	s14 =	simm.s32 $0x1  }
.LBB2_16:
0x5b: {  	s15 =	sand.u32 $0x7, s14;
	p3 =	sne.s32 s13, $0x870;
	s13 =	sadd.s32 $0x10, s13  }
.Ltmp7:
0x5c: {  	s12 =	sadd.s32 $0x80, s12;
	s15 =	sshll.u32 s15, $0x4;
	(pc) =	sbr.rel @p3 .LBB2_16-.Ltmp7, $4  }
0x5d: {  	s15 =	sadd.s32 s15, s12  }
0x5e: {  	s15 =	sor.u32 $0x380, s15  }
0x5f: {  	[tilespmem:s15+$0x0] =	vst v0  }
0x60: {  	s14 =	sadd.s32 $0x1, s14  }
0x61: {  	[tilespmem:$0x4780] =	vst v0  }
0x62: {  	[tilespmem:$0x4790] =	vst v0  }
0x63: {  	[spmem:s4] =	stream.linear.scatter [tilespmem:s3], [sflag:$0x2], $0x4400, $0x38;
	[tilespmem:$0xA9C0] =	vst v63  }
0x64: {  	_ =	swait.ge [sflag:s10], $0x4400  }
0x65: {  	[sflag:s10] =	ssyncset.done $0x0  }
0x66: {  	s12 =	simm.s32 @!p1 $0x0;
	[sflag:s10] =	ssyncadd.s32 $0xFFFFBC00  }
0x67: {  	[spmem:s5] =	stream.linear.scatter @!p1 [tilespmem:s12], [sflag:$0x2], $0x4400, $0x38;
	[tilespmem:$0xA9C0] =	vst v63  }
0x68: {  	s12 =	simm.s32 @!p1 $0x2  }
0x69: {  	_ =	swait.ge @!p1 [sflag:s12], $0x4400  }
0x6a: {  	[sflag:s12] =	ssyncset.done @!p1 $0x0  }
0x6b: {  	[sflag:s12] =	ssyncadd.s32 @!p1 $0xFFFFBC00;
	s12 =	sshll.u32 @p0 s1, $0x6  }
0x6c: {  	s13 =	sshrl.u32 @p0 s2, $0x3;
	[bflag:$0x0] =	sbarrier.arrive $0xFFFF;
	s12 =	sor.u32 @p0 $0x1C01, s12  }
0x6d: {  	[hbm:s7], [sflag:s12] =	dma.local @p0 [spmem:s13], $0xC300  }
0x6e: {  	s12 =	simm.s32 @p0 $0x1  }
0x6f: {  	_ =	swait.ge @p0 [sflag:s12], $0xC300  }
0x70: {  	s13 =	sshll.u32 @!p2 s1, $0x6;
	[sflag:s12] =	ssyncset.done @p0 $0x0  }
0x71: {  	[sflag:s12] =	ssyncadd.s32 @p0 $0xFFFF3D00;
	s12 =	sor.u32 @!p2 $0x1C01, s13;
	s13 =	sshrl.u32 @!p2 s2, $0x3  }
0x72: {  	[hbm:s6], [sflag:s12] =	dma.local @!p2 [spmem:s13], $0xC380  }
0x73: {  	s12 =	simm.s32 @!p2 $0x0;
	s13 =	simm.s32 @!p2 $0x4400  }
0x74: {  	[hbm4b:s8+s12] =	stream.linear.scatter @!p2 [tilespmem:s13], [sflag:$0x1], $0x400, $0x38;
	[tilespmem:$0xA9C0] =	vst v63  }
0x75: {  	s11 =	sadd.s32 $0x1, s11;
	s12 =	simm.s32 @!p2 $0x1  }
0x76: {  	p3 =	sne.s32 s11, s9;
	_ =	swait.ge @!p2 [sflag:s12], $0xC380  }
.Ltmp8:
0x77: {  	[sflag:s12] =	ssyncset.done @!p2 $0x0;
	(pc) =	sbr.rel @p3 .LBB2_1-.Ltmp8, $4  }
0x78: {  	[sflag:s12] =	ssyncadd.s32 @!p2 $0xFFFF3C80  }
0x79: {  	_ =	swait.ge @!p2 [sflag:s12], $0x400  }
0x7a: {  	[sflag:s12] =	ssyncset.done @!p2 $0x0  }
0x7b: {  	[sflag:s12] =	ssyncadd.s32 @!p2 $0xFFFFFC00  }
0x7c: {  	_ =	sfence.sel $0x180000  }
0x7d: {  	[bflag:$0x0] =	sbarrier.arrive $0xFFFF  }
0x7e: {  	p0 =	sne.s32 s1, $0x0;
	_ =	strace $0x90000047  }
0x7f: {  	s0 =	sadd.s32 @!p0 $0x100000, s0;
	[bflag:$0x2] =	sbarrier.arrive $0xFFFF  }
0x80: {  	[sflag:s0] =	ssyncadd.tile.s32 @!p0 $0x1;
	_ =	shalt  }
.Lfunc_end2:
_tile_overlayer_lowered:
.L_overlay_start_2:
0x81: {  	(tag) =	ssettag $0x2  }
0x82: {  	s0 =	rddreg [dreg:$0x0];
	s2 =	stileid.u32  }
0x83: {  	s1 =	rddreg [dreg:$0x1];
	p0 =	sne.s32 s2, $0x0  }
0x84: {  	s3 =	rddreg [dreg:$0x2];
	[bflag:$0x3] =	sbarrier.arrive $0xFFFF;
	s2 =	simm.s32 @!p0 $0x1C02  }
0x85: {  	[timem:s3], [sflag:s2] =	dma.local @!p0 [hbm:s0], s1  }
0x86: {  	s0 =	simm.s32 @!p0 $0x2  }
0x87: {  	_ =	swait.ge @!p0 [sflag:s0], s1  }
0x88: {  	s1 =	ssub.s32 @!p0 $0x0, s1;
	[sflag:s0] =	ssyncset.done @!p0 $0x0  }
0x89: {  	[sflag:s0] =	ssyncadd.s32 @!p0 s1  }
0x8a: {  	[bflag:$0x3] =	sbarrier.arrive $0xFFFF  }
0x8b: {  	_ =	shalt  }

</sc_bundles>
